<compile_context>
chip_gen: v7x
topology: tpu7x:2x2x1
jax: 0.10.2.dev20260603
libtpu: 0.0.44.dev20260713+nightly
codegen_flags: <defaults>
</compile_context>

<pallas_src>
import jax
import jax.numpy as jnp
from jax.experimental import pallas as pl
from jax.experimental.pallas import tpu as pltpu
from jax.experimental.pallas import tpu_sc as plsc

_ROWS = 2 * 8192
_COLS = 2048

_SC_ROWS = 512
_TC_ROWS = _ROWS - _SC_ROWS
_TC_BLK = 512

_NC = 2
_NS = 16
_NW = _NC * _NS
_L = 16
_SC_BLK_R = 8
_SC_GRID = _SC_ROWS // _SC_BLK_R
_SC_BASE = _TC_ROWS // _SC_BLK_R


def _tc_kernel(x_ref, y_ref, o_ref, acc_ref):
    i = pl.program_id(0)

    @pl.when(i == 0)
    def _init():
        acc_ref[0] = 0.0
        acc_ref[1] = 0.0

    x = x_ref[...]
    y = y_ref[...]
    d = x - y
    acc_ref[0] += jnp.sum(d * d)
    acc_ref[1] += jnp.sum(y * y)

    @pl.when(i == pl.num_programs(0) - 1)
    def _fin():
        o_ref[0] = acc_ref[0]
        o_ref[1] = acc_ref[1]


def _tc_partials(xf, yf):
    return pl.pallas_call(
        _tc_kernel,
        grid=(_TC_ROWS // _TC_BLK,),
        in_specs=[
            pl.BlockSpec((_TC_BLK, _COLS), lambda i: (i, 0)),
            pl.BlockSpec((_TC_BLK, _COLS), lambda i: (i, 0)),
        ],
        out_specs=pl.BlockSpec(memory_space=pltpu.SMEM),
        out_shape=jax.ShapeDtypeStruct((2,), jnp.float32),
        scratch_shapes=[pltpu.SMEM((2,), jnp.float32)],
    )(xf, yf)


def _sc_body(acc_l, acc_n, x_vmem, y_vmem):
    zeros = jnp.zeros((_L,), jnp.float32)

    def step(c, carry):
        al0, al1, an0, an1 = carry
        for r in range(_SC_BLK_R):
            xv = x_vmem[r, pl.ds(c * _L, _L)]
            yv = y_vmem[r, pl.ds(c * _L, _L)]
            d = xv - yv
            if r % 2 == 0:
                al0 = al0 + d * d
                an0 = an0 + yv * yv
            else:
                al1 = al1 + d * d
                an1 = an1 + yv * yv
        return (al0, al1, an0, an1)

    al0, al1, an0, an1 = plsc.parallel_loop(
        0, _COLS // _L, unroll=4, carry=(zeros, zeros, zeros, zeros))(step)
    acc_l[...] += al0 + al1
    acc_n[...] += an0 + an1


def _sc_partials(xf, yf):
    mesh = plsc.VectorSubcoreMesh(core_axis_name="c", subcore_axis_name="s")

    @pl.kernel(
        out_type=jax.ShapeDtypeStruct((_NW, 2, _L), jnp.float32),
        mesh=mesh,
        scratch_types=[
            pltpu.VMEM((_L,), jnp.float32),
            pltpu.VMEM((_L,), jnp.float32),
        ],
    )
    def k(x_hbm, y_hbm, o_hbm, acc_l, acc_n):
        acc_l[...] = jnp.zeros((_L,), jnp.float32)
        acc_n[...] = jnp.zeros((_L,), jnp.float32)

        pltpu.emit_pipeline(
            lambda xv, yv: _sc_body(acc_l, acc_n, xv, yv),
            grid=(_SC_GRID,),
            in_specs=[
                pl.BlockSpec((_SC_BLK_R, _COLS), lambda i: (i + _SC_BASE, 0)),
                pl.BlockSpec((_SC_BLK_R, _COLS), lambda i: (i + _SC_BASE, 0)),
            ],
            out_specs=[],
            core_axis_name=("c", "s"),
            dimension_semantics=(pltpu.PARALLEL,),
        )(x_hbm, y_hbm)

        wid = jax.lax.axis_index("s") * _NC + jax.lax.axis_index("c")
        pltpu.sync_copy(acc_l, o_hbm.at[wid, 0])
        pltpu.sync_copy(acc_n, o_hbm.at[wid, 1])

    return k(xf, yf)


def kernel(x, y):
    xf = x.reshape(_ROWS, _COLS)
    yf = y.reshape(_ROWS, _COLS)
    sc_p = _sc_partials(xf, yf)
    tc_p = _tc_partials(xf, yf)
    loss_sum = tc_p[0] + jnp.sum(sc_p[:, 0, :])
    norm_sum = tc_p[1] + jnp.sum(sc_p[:, 1, :])
    return loss_sum / norm_sum

# --- scband reference (transcript-rebuilt; emitter-appended) ---
"""Pipeline reference for scband-denoise-loss-2259152798100 (READ-ONLY COPY).

The authoritative reference and input builder live on the scoring server;
editing this copy changes nothing except your own understanding.
"""

import jax, jax.numpy as jnp
import numpy as np

N_POW = 2
HARD_MINING = 0.0
NORM = True

def setup_inputs(seed: int = 0) -> dict:
    key = jax.random.key(seed)
    k1, k2 = jax.random.split(key)
    x = jax.random.normal(k1, (2, 8192, 2048), dtype=jnp.float32)
    y = jax.random.normal(k2, (2, 8192, 2048), dtype=jnp.float32)
    return {"x": x, "y": y}

def reference(x, y):
    # loss = |x - y| ** n
    loss = jnp.power(jnp.abs(x - y), N_POW)
    # hard_mining == 0 -> no top-k selection branch
    loss = jnp.mean(loss)
    if NORM:
        # torch uses y.data.mean() -> detached; mirror with stop_gradient
        norm = jax.lax.stop_gradient(jnp.mean(jnp.power(jnp.abs(y), N_POW)))
        loss = loss / norm
    return loss

if __name__ == "__main__":
    import jax
    _d = setup_inputs()
    print(jax.jit(kernel)(*tuple(_d.values())))

</pallas_src>

<mosaic_0001>
#map = affine_map<(d0, d1) -> (0, 0)>
#map1 = affine_map<(d0, d1) -> (0, 0, 0)>
module attributes {stable_mosaic.version = 14 : i64} {
  func.func @k(%arg0: i32, %arg1: i32, %arg2: memref<16384x2048xf32, #tpu.memory_space<hbm>>, %arg3: memref<16384x2048xf32, #tpu.memory_space<hbm>>, %arg4: memref<32x2x16xf32, #tpu.memory_space<hbm>>, %arg5: memref<16xf32, #tpu.memory_space<vmem>>, %arg6: memref<16xf32, #tpu.memory_space<vmem>>) attributes {dimension_semantics = [#tpu.dimension_semantics<core_parallel>, #tpu.dimension_semantics<subcore_parallel>], iteration_bounds = array<i64: 2, 16>, scalar_prefetch = 0 : i64, scratch_operands = 2 : i64, tpu.core_type = #tpu.core_type<sc_vector_subcore>, window_params = [{transform_indices = #map}, {transform_indices = #map}, {transform_indices = #map1}]} {
    %broadcast_in_dim3A = arith.constant 0.000000e+00 : f32
    %broadcast_in_dim3A_0 = vector.broadcast %broadcast_in_dim3A : f32 to vector<16xf32>
    %swap3A = arith.constant 0 : index
    %swap3A_1 = tpu.vector_load %arg5[%swap3A] {strides = array<i32>} : memref<16xf32, #tpu.memory_space<vmem>>, vector<16xf32>,
    %swap3A_2 = vector.shape_cast %swap3A_1 : vector<16xf32> to vector<16xf32>
    %swap3A_3 = vector.shape_cast %broadcast_in_dim3A_0 : vector<16xf32> to vector<16xf32>
    tpu.vector_store %arg5[%swap3A], %swap3A_3 {strides = array<i32>} : memref<16xf32, #tpu.memory_space<vmem>>, vector<16xf32>,
    %broadcast_in_dim3A_4 = arith.constant 0.000000e+00 : f32
    %broadcast_in_dim3A_5 = vector.broadcast %broadcast_in_dim3A_4 : f32 to vector<16xf32>
    %swap3A_6 = arith.constant 0 : index
    %swap3A_7 = tpu.vector_load %arg6[%swap3A_6] {strides = array<i32>} : memref<16xf32, #tpu.memory_space<vmem>>, vector<16xf32>,
    %swap3A_8 = vector.shape_cast %swap3A_7 : vector<16xf32> to vector<16xf32>
    %swap3A_9 = vector.shape_cast %broadcast_in_dim3A_5 : vector<16xf32> to vector<16xf32>
    tpu.vector_store %arg6[%swap3A_6], %swap3A_9 {strides = array<i32>} : memref<16xf32, #tpu.memory_space<vmem>>, vector<16xf32>,
    %mul3A = arith.constant 1 : i32
    %mul3A_10 = arith.muli %arg1, %mul3A : i32
    %add3A = arith.constant 0 : i32
    %add3A_11 = arith.addi %add3A, %mul3A_10 : i32
    %mul3A_12 = arith.constant 16 : i32
    %mul3A_13 = arith.muli %arg0, %mul3A_12 : i32
    %add3A_14 = arith.addi %add3A_11, %mul3A_13 : i32
    %mul3A_15 = arith.constant 2 : i32
    %mul3A_16 = arith.muli %add3A_14, %mul3A_15 : i32
    "tpu.region"() ({
      %run_scoped3A_21 = memref.alloca() : memref<2x8x2048xf32, #tpu.memory_space<vmem>>
      %run_scoped3A_22 = tpu.sem_alloc : memref<2x!tpu.dma_semaphore, #tpu.memory_space<semaphore_mem>>
      %run_scoped3A_23 = memref.alloca() : memref<2x8x2048xf32, #tpu.memory_space<vmem>>
      %run_scoped3A_24 = tpu.sem_alloc : memref<2x!tpu.dma_semaphore, #tpu.memory_space<semaphore_mem>>
      %add3A_25 = arith.constant 0 : i32
      %add3A_26 = arith.addi %add3A_25, %mul3A_16 : i32
      %select_n3A = arith.constant true
      %select_n3A_27 = arith.constant 0 : i32
      %select_n3A_28 = arith.constant -1 : i32
      %select_n3A_29 = arith.select %select_n3A, %select_n3A_28, %select_n3A_27 : i32
      %eq3A = arith.constant -1 : i32
      %eq3A_30 = arith.cmpi eq, %select_n3A_29, %eq3A : i32
      %select_n3A_31 = arith.constant 1 : i32
      %select_n3A_32 = arith.select %eq3A_30, %select_n3A_31, %select_n3A_29 : i32
      %add3A_33 = arith.addi %select_n3A_32, %mul3A_16 : i32
      %select_n3A_34 = arith.constant true
      %select_n3A_35 = arith.constant 0 : i32
      %select_n3A_36 = arith.constant 1 : i32
      %select_n3A_37 = arith.select %select_n3A_34, %select_n3A_36, %select_n3A_35 : i32
      %eq3A_38 = arith.constant 2 : i32
      %eq3A_39 = arith.cmpi eq, %select_n3A_37, %eq3A_38 : i32
      %select_n3A_40 = arith.constant 0 : i32
      %select_n3A_41 = arith.select %eq3A_39, %select_n3A_40, %select_n3A_37 : i32
      %add3A_42 = arith.addi %select_n3A_41, %mul3A_16 : i32
      %add3A_43 = arith.constant 1 : i32
      %add3A_44 = arith.addi %select_n3A_41, %add3A_43 : i32
      %select_n3A_45 = arith.constant true
      %select_n3A_46 = arith.select %select_n3A_45, %add3A_44, %select_n3A_41 : i32
      %eq3A_47 = arith.constant 2 : i32
      %eq3A_48 = arith.cmpi eq, %select_n3A_46, %eq3A_47 : i32
      %select_n3A_49 = arith.constant 0 : i32
      %select_n3A_50 = arith.select %eq3A_48, %select_n3A_49, %select_n3A_46 : i32
      %add3A_51 = arith.addi %select_n3A_50, %mul3A_16 : i32
      "tpu.trace_start"() <{level = 10 : i32, message = "ep_initialize_0"}> : () -> ()
      %rem3A = arith.constant 0 : i32
      %rem3A_52 = arith.constant 2 : i32
      %rem3A_53 = arith.remui %rem3A, %rem3A_52 : i32
      %add3A_54 = arith.constant 1984 : i32
      %add3A_55 = arith.addi %add3A_26, %add3A_54 : i32
      %mul3A_56 = arith.constant 8 : i32
      %mul3A_57 = arith.muli %mul3A_56, %add3A_55 : i32
      %dma_start3A = arith.constant 0 : i32
      %dma_start3A_58 = arith.constant 0 : i32
      %dma_start3A_59 = tpu.memref_slice %run_scoped3A_21[%rem3A_53, %dma_start3A, %dma_start3A_58] : memref<2x8x2048xf32, #tpu.memory_space<vmem>> -> memref<1x8x2048xf32, #tpu.memory_space<vmem>>
      %dma_start3A_60 = tpu.memref_squeeze %dma_start3A_59 : memref<1x8x2048xf32, #tpu.memory_space<vmem>> -> memref<8x2048xf32, #tpu.memory_space<vmem>>
      %dma_start3A_61 = arith.constant 0 : i32
      %dma_start3A_62 = tpu.memref_slice %arg2[%mul3A_57, %dma_start3A_61] : memref<16384x2048xf32, #tpu.memory_space<hbm>> -> memref<8x2048xf32, #tpu.memory_space<hbm>>
      %dma_start3A_63 = tpu.memref_slice %run_scoped3A_22[%rem3A_53] : memref<2x!tpu.dma_semaphore, #tpu.memory_space<semaphore_mem>> -> memref<1x!tpu.dma_semaphore, #tpu.memory_space<semaphore_mem>>
      %dma_start3A_64 = tpu.memref_squeeze %dma_start3A_63 : memref<1x!tpu.dma_semaphore, #tpu.memory_space<semaphore_mem>> -> memref<!tpu.dma_semaphore, #tpu.memory_space<semaphore_mem>>
      %dma_start3A_65 = arith.constant 0 : i32
      %dma_start3A_66 = arith.constant 0 : i32
      %dma_start3A_67 = tpu.memref_slice %run_scoped3A_21[%rem3A_53, %dma_start3A_65, %dma_start3A_66] : memref<2x8x2048xf32, #tpu.memory_space<vmem>> -> memref<1x8x2048xf32, #tpu.memory_space<vmem>>
      %dma_start3A_68 = tpu.memref_squeeze %dma_start3A_67 : memref<1x8x2048xf32, #tpu.memory_space<vmem>> -> memref<8x2048xf32, #tpu.memory_space<vmem>>
      %dma_start3A_69 = arith.constant 0 : i32
      %dma_start3A_70 = tpu.memref_slice %arg2[%mul3A_57, %dma_start3A_69] : memref<16384x2048xf32, #tpu.memory_space<hbm>> -> memref<8x2048xf32, #tpu.memory_space<hbm>>
      tpu.enqueue_dma source(%dma_start3A_70 : memref<8x2048xf32, #tpu.memory_space<hbm>>) target(%dma_start3A_68 : memref<8x2048xf32, #tpu.memory_space<vmem>>) target_semaphore(%dma_start3A_64 : memref<!tpu.dma_semaphore, #tpu.memory_space<semaphore_mem>>)
      %add3A_71 = arith.constant 0 : i32
      %add3A_72 = arith.constant 1 : i32
      %add3A_73 = arith.addi %add3A_71, %add3A_72 : i32
      %select_n3A_74 = arith.constant true
      %select_n3A_75 = arith.constant 0 : i32
      %select_n3A_76 = arith.select %select_n3A_74, %add3A_73, %select_n3A_75 : i32
      %rem3A_77 = arith.constant 0 : i32
      %rem3A_78 = arith.constant 2 : i32
      %rem3A_79 = arith.remui %rem3A_77, %rem3A_78 : i32
      %add3A_80 = arith.constant 1984 : i32
      %add3A_81 = arith.addi %add3A_26, %add3A_80 : i32
      %mul3A_82 = arith.constant 8 : i32
      %mul3A_83 = arith.muli %mul3A_82, %add3A_81 : i32
      %dma_start3A_84 = arith.constant 0 : i32
      %dma_start3A_85 = arith.constant 0 : i32
      %dma_start3A_86 = tpu.memref_slice %run_scoped3A_23[%rem3A_79, %dma_start3A_84, %dma_start3A_85] : memref<2x8x2048xf32, #tpu.memory_space<vmem>> -> memref<1x8x2048xf32, #tpu.memory_space<vmem>>
      %dma_start3A_87 = tpu.memref_squeeze %dma_start3A_86 : memref<1x8x2048xf32, #tpu.memory_space<vmem>> -> memref<8x2048xf32, #tpu.memory_space<vmem>>
      %dma_start3A_88 = arith.constant 0 : i32
      %dma_start3A_89 = tpu.memref_slice %arg3[%mul3A_83, %dma_start3A_88] : memref<16384x2048xf32, #tpu.memory_space<hbm>> -> memref<8x2048xf32, #tpu.memory_space<hbm>>
      %dma_start3A_90 = tpu.memref_slice %run_scoped3A_24[%rem3A_79] : memref<2x!tpu.dma_semaphore, #tpu.memory_space<semaphore_mem>> -> memref<1x!tpu.dma_semaphore, #tpu.memory_space<semaphore_mem>>
      %dma_start3A_91 = tpu.memref_squeeze %dma_start3A_90 : memref<1x!tpu.dma_semaphore, #tpu.memory_space<semaphore_mem>> -> memref<!tpu.dma_semaphore, #tpu.memory_space<semaphore_mem>>
      %dma_start3A_92 = arith.constant 0 : i32
      %dma_start3A_93 = arith.constant 0 : i32
      %dma_start3A_94 = tpu.memref_slice %run_scoped3A_23[%rem3A_79, %dma_start3A_92, %dma_start3A_93] : memref<2x8x2048xf32, #tpu.memory_space<vmem>> -> memref<1x8x2048xf32, #tpu.memory_space<vmem>>
      %dma_start3A_95 = tpu.memref_squeeze %dma_start3A_94 : memref<1x8x2048xf32, #tpu.memory_space<vmem>> -> memref<8x2048xf32, #tpu.memory_space<vmem>>
      %dma_start3A_96 = arith.constant 0 : i32
      %dma_start3A_97 = tpu.memref_slice %arg3[%mul3A_83, %dma_start3A_96] : memref<16384x2048xf32, #tpu.memory_space<hbm>> -> memref<8x2048xf32, #tpu.memory_space<hbm>>
      tpu.enqueue_dma source(%dma_start3A_97 : memref<8x2048xf32, #tpu.memory_space<hbm>>) target(%dma_start3A_95 : memref<8x2048xf32, #tpu.memory_space<vmem>>) target_semaphore(%dma_start3A_91 : memref<!tpu.dma_semaphore, #tpu.memory_space<semaphore_mem>>)
      %add3A_98 = arith.constant 0 : i32
      %add3A_99 = arith.constant 1 : i32
      %add3A_100 = arith.addi %add3A_98, %add3A_99 : i32
      %select_n3A_101 = arith.constant true
      %select_n3A_102 = arith.constant 0 : i32
      %select_n3A_103 = arith.select %select_n3A_101, %add3A_100, %select_n3A_102 : i32
      "tpu.trace_stop"() : () -> ()
      %scan3A = arith.constant 0 : i32
      %scan3A_104 = arith.constant 0 : i32
      %scan3A_105 = arith.constant 0 : i32
      %scan3A_106 = arith.constant 0 : i32
      %scan3A_107 = arith.constant 2 : i32
      %scan3A_108 = arith.addi %scan3A_106, %scan3A_107 : i32
      %scan3A_109 = arith.constant 1 : i32
      %scan3A_110:5 = scf.for %scan3A_147 = %scan3A_106 to %scan3A_108 step %scan3A_109 iter_args(%scan3A_148 = %select_n3A_76, %scan3A_149 = %scan3A, %scan3A_150 = %select_n3A_103, %scan3A_151 = %scan3A_104, %scan3A_152 = %scan3A_105) -> (i32, i32, i32, i32, i32)  : i32 {
        %eq3A_153 = arith.constant 0 : i32
        %eq3A_154 = arith.cmpi eq, %scan3A_147, %eq3A_153 : i32
        %eq3A_155 = arith.constant 1 : i32
        %eq3A_156 = arith.cmpi eq, %scan3A_147, %eq3A_155 : i32
        %add3A_157 = arith.addi %scan3A_152, %mul3A_16 : i32
        %sub3A_158 = arith.constant 1 : i32
        %sub3A_159 = arith.subi %scan3A_152, %sub3A_158 : i32
        %select_n3A_160 = arith.constant true
        %select_n3A_161 = arith.select %select_n3A_160, %sub3A_159, %scan3A_152 : i32
        %eq3A_162 = arith.constant -1 : i32
        %eq3A_163 = arith.cmpi eq, %select_n3A_161, %eq3A_162 : i32
        %select_n3A_164 = arith.constant 1 : i32
        %select_n3A_165 = arith.select %eq3A_163, %select_n3A_164, %select_n3A_161 : i32
        %add3A_166 = arith.addi %select_n3A_165, %mul3A_16 : i32
        %add3A_167 = arith.constant 1 : i32
        %add3A_168 = arith.addi %scan3A_152, %add3A_167 : i32
        %select_n3A_169 = arith.constant true
        %select_n3A_170 = arith.select %select_n3A_169, %add3A_168, %scan3A_152 : i32
        %eq3A_171 = arith.constant 2 : i32
        %eq3A_172 = arith.cmpi eq, %select_n3A_170, %eq3A_171 : i32
        %select_n3A_173 = arith.constant 0 : i32
        %select_n3A_174 = arith.select %eq3A_172, %select_n3A_173, %select_n3A_170 : i32
        %add3A_175 = arith.addi %select_n3A_174, %mul3A_16 : i32
        %add3A_176 = arith.constant 1 : i32
        %add3A_177 = arith.addi %select_n3A_174, %add3A_176 : i32
        %select_n3A_178 = arith.constant true
        %select_n3A_179 = arith.select %select_n3A_178, %add3A_177, %select_n3A_174 : i32
        %eq3A_180 = arith.constant 2 : i32
        %eq3A_181 = arith.cmpi eq, %select_n3A_179, %eq3A_180 : i32
        %select_n3A_182 = arith.constant 0 : i32
        %select_n3A_183 = arith.select %eq3A_181, %select_n3A_182, %select_n3A_179 : i32
        %add3A_184 = arith.addi %select_n3A_183, %mul3A_16 : i32
        %add3A_185 = arith.constant 1984 : i32
        %add3A_186 = arith.addi %add3A_157, %add3A_185 : i32
        %add3A_187 = arith.constant 1984 : i32
        %add3A_188 = arith.addi %add3A_175, %add3A_187 : i32
        %ne3A = arith.cmpi ne, %add3A_186, %add3A_188 : i32
        %or3A = arith.constant false
        %or3A_189 = arith.ori %or3A, %ne3A : i1
        %or3A_190 = arith.constant false
        %or3A_191 = arith.ori %or3A_189, %or3A_190 : i1
        %ge3A = arith.constant 1 : i32
        %ge3A_192 = arith.cmpi sge, %scan3A_147, %ge3A : i32
        %not3A = arith.constant true
        %not3A_193 = arith.xori %ge3A_192, %not3A : i1
        %and3A = arith.andi %or3A_191, %not3A_193 : i1
        %convert_element_type3A = arith.extui %and3A : i1 to i32
        %cond3A = arith.constant 0 : i32
        %cond3A_194 = arith.cmpi ne, %convert_element_type3A, %cond3A : i32
        scf.if %cond3A_194 {
          "tpu.trace_start"() <{level = 10 : i32, message = "ep_copy_in"}> : () -> ()
          %rem3A_372 = arith.constant 2 : i32
          %rem3A_373 = arith.remui %scan3A_148, %rem3A_372 : i32
          %add3A_374 = arith.constant 1984 : i32
          %add3A_375 = arith.addi %add3A_175, %add3A_374 : i32
          %mul3A_376 = arith.constant 8 : i32
          %mul3A_377 = arith.muli %mul3A_376, %add3A_375 : i32
          %dma_start3A_378 = arith.constant 0 : i32
          %dma_start3A_379 = arith.constant 0 : i32
          %dma_start3A_380 = tpu.memref_slice %run_scoped3A_21[%rem3A_373, %dma_start3A_378, %dma_start3A_379] : memref<2x8x2048xf32, #tpu.memory_space<vmem>> -> memref<1x8x2048xf32, #tpu.memory_space<vmem>>
          %dma_start3A_381 = tpu.memref_squeeze %dma_start3A_380 : memref<1x8x2048xf32, #tpu.memory_space<vmem>> -> memref<8x2048xf32, #tpu.memory_space<vmem>>
          %dma_start3A_382 = arith.constant 0 : i32
          %dma_start3A_383 = tpu.memref_slice %arg2[%mul3A_377, %dma_start3A_382] : memref<16384x2048xf32, #tpu.memory_space<hbm>> -> memref<8x2048xf32, #tpu.memory_space<hbm>>
          %dma_start3A_384 = tpu.memref_slice %run_scoped3A_22[%rem3A_373] : memref<2x!tpu.dma_semaphore, #tpu.memory_space<semaphore_mem>> -> memref<1x!tpu.dma_semaphore, #tpu.memory_space<semaphore_mem>>
          %dma_start3A_385 = tpu.memref_squeeze %dma_start3A_384 : memref<1x!tpu.dma_semaphore, #tpu.memory_space<semaphore_mem>> -> memref<!tpu.dma_semaphore, #tpu.memory_space<semaphore_mem>>
          %dma_start3A_386 = arith.constant 0 : i32
          %dma_start3A_387 = arith.constant 0 : i32
          %dma_start3A_388 = tpu.memref_slice %run_scoped3A_21[%rem3A_373, %dma_start3A_386, %dma_start3A_387] : memref<2x8x2048xf32, #tpu.memory_space<vmem>> -> memref<1x8x2048xf32, #tpu.memory_space<vmem>>
          %dma_start3A_389 = tpu.memref_squeeze %dma_start3A_388 : memref<1x8x2048xf32, #tpu.memory_space<vmem>> -> memref<8x2048xf32, #tpu.memory_space<vmem>>
          %dma_start3A_390 = arith.constant 0 : i32
          %dma_start3A_391 = tpu.memref_slice %arg2[%mul3A_377, %dma_start3A_390] : memref<16384x2048xf32, #tpu.memory_space<hbm>> -> memref<8x2048xf32, #tpu.memory_space<hbm>>
          tpu.enqueue_dma source(%dma_start3A_391 : memref<8x2048xf32, #tpu.memory_space<hbm>>) target(%dma_start3A_389 : memref<8x2048xf32, #tpu.memory_space<vmem>>) target_semaphore(%dma_start3A_385 : memref<!tpu.dma_semaphore, #tpu.memory_space<semaphore_mem>>)
          "tpu.trace_stop"() : () -> ()
        } else {
        }
        %and3A_195 = arith.constant true
        %and3A_196 = arith.andi %and3A, %and3A_195 : i1
        %add3A_197 = arith.constant 1 : i32
        %add3A_198 = arith.addi %scan3A_148, %add3A_197 : i32
        %select_n3A_199 = arith.select %and3A_196, %add3A_198, %scan3A_148 : i32
        %add3A_200 = arith.constant 1984 : i32
        %add3A_201 = arith.addi %add3A_157, %add3A_200 : i32
        %add3A_202 = arith.constant 1984 : i32
        %add3A_203 = arith.addi %add3A_175, %add3A_202 : i32
        %ne3A_204 = arith.cmpi ne, %add3A_201, %add3A_203 : i32
        %or3A_205 = arith.constant false
        %or3A_206 = arith.ori %or3A_205, %ne3A_204 : i1
        %or3A_207 = arith.constant false
        %or3A_208 = arith.ori %or3A_206, %or3A_207 : i1
        %ge3A_209 = arith.constant 1 : i32
        %ge3A_210 = arith.cmpi sge, %scan3A_147, %ge3A_209 : i32
        %not3A_211 = arith.constant true
        %not3A_212 = arith.xori %ge3A_210, %not3A_211 : i1
        %and3A_213 = arith.andi %or3A_208, %not3A_212 : i1
        %convert_element_type3A_214 = arith.extui %and3A_213 : i1 to i32
        %cond3A_215 = arith.constant 0 : i32
        %cond3A_216 = arith.cmpi ne, %convert_element_type3A_214, %cond3A_215 : i32
        scf.if %cond3A_216 {
          "tpu.trace_start"() <{level = 10 : i32, message = "ep_copy_in"}> : () -> ()
          %rem3A_372 = arith.constant 2 : i32
          %rem3A_373 = arith.remui %scan3A_150, %rem3A_372 : i32
          %add3A_374 = arith.constant 1984 : i32
          %add3A_375 = arith.addi %add3A_175, %add3A_374 : i32
          %mul3A_376 = arith.constant 8 : i32
          %mul3A_377 = arith.muli %mul3A_376, %add3A_375 : i32
          %dma_start3A_378 = arith.constant 0 : i32
          %dma_start3A_379 = arith.constant 0 : i32
          %dma_start3A_380 = tpu.memref_slice %run_scoped3A_23[%rem3A_373, %dma_start3A_378, %dma_start3A_379] : memref<2x8x2048xf32, #tpu.memory_space<vmem>> -> memref<1x8x2048xf32, #tpu.memory_space<vmem>>
          %dma_start3A_381 = tpu.memref_squeeze %dma_start3A_380 : memref<1x8x2048xf32, #tpu.memory_space<vmem>> -> memref<8x2048xf32, #tpu.memory_space<vmem>>
          %dma_start3A_382 = arith.constant 0 : i32
          %dma_start3A_383 = tpu.memref_slice %arg3[%mul3A_377, %dma_start3A_382] : memref<16384x2048xf32, #tpu.memory_space<hbm>> -> memref<8x2048xf32, #tpu.memory_space<hbm>>
          %dma_start3A_384 = tpu.memref_slice %run_scoped3A_24[%rem3A_373] : memref<2x!tpu.dma_semaphore, #tpu.memory_space<semaphore_mem>> -> memref<1x!tpu.dma_semaphore, #tpu.memory_space<semaphore_mem>>
          %dma_start3A_385 = tpu.memref_squeeze %dma_start3A_384 : memref<1x!tpu.dma_semaphore, #tpu.memory_space<semaphore_mem>> -> memref<!tpu.dma_semaphore, #tpu.memory_space<semaphore_mem>>
          %dma_start3A_386 = arith.constant 0 : i32
          %dma_start3A_387 = arith.constant 0 : i32
          %dma_start3A_388 = tpu.memref_slice %run_scoped3A_23[%rem3A_373, %dma_start3A_386, %dma_start3A_387] : memref<2x8x2048xf32, #tpu.memory_space<vmem>> -> memref<1x8x2048xf32, #tpu.memory_space<vmem>>
          %dma_start3A_389 = tpu.memref_squeeze %dma_start3A_388 : memref<1x8x2048xf32, #tpu.memory_space<vmem>> -> memref<8x2048xf32, #tpu.memory_space<vmem>>
          %dma_start3A_390 = arith.constant 0 : i32
          %dma_start3A_391 = tpu.memref_slice %arg3[%mul3A_377, %dma_start3A_390] : memref<16384x2048xf32, #tpu.memory_space<hbm>> -> memref<8x2048xf32, #tpu.memory_space<hbm>>
          tpu.enqueue_dma source(%dma_start3A_391 : memref<8x2048xf32, #tpu.memory_space<hbm>>) target(%dma_start3A_389 : memref<8x2048xf32, #tpu.memory_space<vmem>>) target_semaphore(%dma_start3A_385 : memref<!tpu.dma_semaphore, #tpu.memory_space<semaphore_mem>>)
          "tpu.trace_stop"() : () -> ()
        } else {
        }
        %and3A_217 = arith.constant true
        %and3A_218 = arith.andi %and3A_213, %and3A_217 : i1
        %add3A_219 = arith.constant 1 : i32
        %add3A_220 = arith.addi %scan3A_150, %add3A_219 : i32
        %select_n3A_221 = arith.select %and3A_218, %add3A_220, %scan3A_150 : i32
        %add3A_222 = arith.constant 1984 : i32
        %add3A_223 = arith.addi %add3A_157, %add3A_222 : i32
        %add3A_224 = arith.constant 1984 : i32
        %add3A_225 = arith.addi %add3A_166, %add3A_224 : i32
        %ne3A_226 = arith.cmpi ne, %add3A_223, %add3A_225 : i32
        %or3A_227 = arith.constant false
        %or3A_228 = arith.ori %or3A_227, %ne3A_226 : i1
        %or3A_229 = arith.constant false
        %or3A_230 = arith.ori %or3A_228, %or3A_229 : i1
        %or3A_231 = arith.ori %or3A_230, %eq3A_154 : i1
        %convert_element_type3A_232 = arith.extui %or3A_231 : i1 to i32
        %cond3A_233 = arith.constant 0 : i32
        %cond3A_234 = arith.cmpi ne, %convert_element_type3A_232, %cond3A_233 : i32
        scf.if %cond3A_234 {
          "tpu.trace_start"() <{level = 10 : i32, message = "ep_wait_in"}> : () -> ()
          %add3A_372 = arith.constant 1984 : i32
          %add3A_373 = arith.addi %add3A_157, %add3A_372 : i32
          %mul3A_374 = arith.constant 8 : i32
          %mul3A_375 = arith.muli %mul3A_374, %add3A_373 : i32
          %rem3A_376 = arith.constant 2 : i32
          %rem3A_377 = arith.remui %scan3A_149, %rem3A_376 : i32
          %dma_wait3A = arith.constant 0 : i32
          %dma_wait3A_378 = arith.constant 0 : i32
          %dma_wait3A_379 = tpu.memref_slice %run_scoped3A_21[%rem3A_377, %dma_wait3A, %dma_wait3A_378] : memref<2x8x2048xf32, #tpu.memory_space<vmem>> -> memref<1x8x2048xf32, #tpu.memory_space<vmem>>
          %dma_wait3A_380 = tpu.memref_squeeze %dma_wait3A_379 : memref<1x8x2048xf32, #tpu.memory_space<vmem>> -> memref<8x2048xf32, #tpu.memory_space<vmem>>
          %dma_wait3A_381 = arith.constant 0 : i32
          %dma_wait3A_382 = tpu.memref_slice %arg2[%mul3A_375, %dma_wait3A_381] : memref<16384x2048xf32, #tpu.memory_space<hbm>> -> memref<8x2048xf32, #tpu.memory_space<hbm>>
          %dma_wait3A_383 = tpu.memref_slice %run_scoped3A_22[%rem3A_377] : memref<2x!tpu.dma_semaphore, #tpu.memory_space<semaphore_mem>> -> memref<1x!tpu.dma_semaphore, #tpu.memory_space<semaphore_mem>>
          %dma_wait3A_384 = tpu.memref_squeeze %dma_wait3A_383 : memref<1x!tpu.dma_semaphore, #tpu.memory_space<semaphore_mem>> -> memref<!tpu.dma_semaphore, #tpu.memory_space<semaphore_mem>>
          %dma_wait3A_385 = arith.constant 0 : i32
          %dma_wait3A_386 = arith.constant 0 : i32
          %dma_wait3A_387 = tpu.memref_slice %run_scoped3A_21[%rem3A_377, %dma_wait3A_385, %dma_wait3A_386] : memref<2x8x2048xf32, #tpu.memory_space<vmem>> -> memref<1x8x2048xf32, #tpu.memory_space<vmem>>
          %dma_wait3A_388 = tpu.memref_squeeze %dma_wait3A_387 : memref<1x8x2048xf32, #tpu.memory_space<vmem>> -> memref<8x2048xf32, #tpu.memory_space<vmem>>
          %dma_wait3A_389 = arith.constant 0 : i32
          %dma_wait3A_390 = tpu.memref_slice %arg2[%mul3A_375, %dma_wait3A_389] : memref<16384x2048xf32, #tpu.memory_space<hbm>> -> memref<8x2048xf32, #tpu.memory_space<hbm>>
          tpu.wait_dma2 semaphore(%dma_wait3A_384 : memref<!tpu.dma_semaphore, #tpu.memory_space<semaphore_mem>>) src(%dma_wait3A_390 : memref<8x2048xf32, #tpu.memory_space<hbm>>) dst(%dma_wait3A_388 : memref<8x2048xf32, #tpu.memory_space<vmem>>)
          "tpu.trace_stop"() : () -> ()
        } else {
        }
        %add3A_235 = arith.constant 1984 : i32
        %add3A_236 = arith.addi %add3A_157, %add3A_235 : i32
        %add3A_237 = arith.constant 1984 : i32
        %add3A_238 = arith.addi %add3A_166, %add3A_237 : i32
        %ne3A_239 = arith.cmpi ne, %add3A_236, %add3A_238 : i32
        %or3A_240 = arith.constant false
        %or3A_241 = arith.ori %or3A_240, %ne3A_239 : i1
        %or3A_242 = arith.constant false
        %or3A_243 = arith.ori %or3A_241, %or3A_242 : i1
        %or3A_244 = arith.ori %or3A_243, %eq3A_154 : i1
        %convert_element_type3A_245 = arith.extui %or3A_244 : i1 to i32
        %cond3A_246 = arith.constant 0 : i32
        %cond3A_247 = arith.cmpi ne, %convert_element_type3A_245, %cond3A_246 : i32
        scf.if %cond3A_247 {
          "tpu.trace_start"() <{level = 10 : i32, message = "ep_wait_in"}> : () -> ()
          %add3A_372 = arith.constant 1984 : i32
          %add3A_373 = arith.addi %add3A_157, %add3A_372 : i32
          %mul3A_374 = arith.constant 8 : i32
          %mul3A_375 = arith.muli %mul3A_374, %add3A_373 : i32
          %rem3A_376 = arith.constant 2 : i32
          %rem3A_377 = arith.remui %scan3A_151, %rem3A_376 : i32
          %dma_wait3A = arith.constant 0 : i32
          %dma_wait3A_378 = arith.constant 0 : i32
          %dma_wait3A_379 = tpu.memref_slice %run_scoped3A_23[%rem3A_377, %dma_wait3A, %dma_wait3A_378] : memref<2x8x2048xf32, #tpu.memory_space<vmem>> -> memref<1x8x2048xf32, #tpu.memory_space<vmem>>
          %dma_wait3A_380 = tpu.memref_squeeze %dma_wait3A_379 : memref<1x8x2048xf32, #tpu.memory_space<vmem>> -> memref<8x2048xf32, #tpu.memory_space<vmem>>
          %dma_wait3A_381 = arith.constant 0 : i32
          %dma_wait3A_382 = tpu.memref_slice %arg3[%mul3A_375, %dma_wait3A_381] : memref<16384x2048xf32, #tpu.memory_space<hbm>> -> memref<8x2048xf32, #tpu.memory_space<hbm>>
          %dma_wait3A_383 = tpu.memref_slice %run_scoped3A_24[%rem3A_377] : memref<2x!tpu.dma_semaphore, #tpu.memory_space<semaphore_mem>> -> memref<1x!tpu.dma_semaphore, #tpu.memory_space<semaphore_mem>>
          %dma_wait3A_384 = tpu.memref_squeeze %dma_wait3A_383 : memref<1x!tpu.dma_semaphore, #tpu.memory_space<semaphore_mem>> -> memref<!tpu.dma_semaphore, #tpu.memory_space<semaphore_mem>>
          %dma_wait3A_385 = arith.constant 0 : i32
          %dma_wait3A_386 = arith.constant 0 : i32
          %dma_wait3A_387 = tpu.memref_slice %run_scoped3A_23[%rem3A_377, %dma_wait3A_385, %dma_wait3A_386] : memref<2x8x2048xf32, #tpu.memory_space<vmem>> -> memref<1x8x2048xf32, #tpu.memory_space<vmem>>
          %dma_wait3A_388 = tpu.memref_squeeze %dma_wait3A_387 : memref<1x8x2048xf32, #tpu.memory_space<vmem>> -> memref<8x2048xf32, #tpu.memory_space<vmem>>
          %dma_wait3A_389 = arith.constant 0 : i32
          %dma_wait3A_390 = tpu.memref_slice %arg3[%mul3A_375, %dma_wait3A_389] : memref<16384x2048xf32, #tpu.memory_space<hbm>> -> memref<8x2048xf32, #tpu.memory_space<hbm>>
          tpu.wait_dma2 semaphore(%dma_wait3A_384 : memref<!tpu.dma_semaphore, #tpu.memory_space<semaphore_mem>>) src(%dma_wait3A_390 : memref<8x2048xf32, #tpu.memory_space<hbm>>) dst(%dma_wait3A_388 : memref<8x2048xf32, #tpu.memory_space<vmem>>)
          "tpu.trace_stop"() : () -> ()
        } else {
        }
        %rem3A_248 = arith.constant 2 : i32
        %rem3A_249 = arith.remui %scan3A_149, %rem3A_248 : i32
        %rem3A_250 = arith.constant 2 : i32
        %rem3A_251 = arith.remui %scan3A_151, %rem3A_250 : i32
        %broadcast_in_dim3A_252 = arith.constant 0.000000e+00 : f32
        "tpu.trace_start"() <{level = 10 : i32, message = "ep_run_kernel"}> : () -> ()
        %broadcast_in_dim3A_253 = vector.broadcast %broadcast_in_dim3A_252 : f32 to vector<16xf32>
        %parallel_loop3A = arith.constant 0 : i32
        %parallel_loop3A_254 = arith.constant 128 : i32
        %parallel_loop3A_255 = arith.constant 1 : i32
        %parallel_loop3A_256:4 = scf.for %parallel_loop3A_372 = %parallel_loop3A to %parallel_loop3A_254 step %parallel_loop3A_255 iter_args(%parallel_loop3A_373 = %broadcast_in_dim3A_253, %parallel_loop3A_374 = %broadcast_in_dim3A_253, %parallel_loop3A_375 = %broadcast_in_dim3A_253, %parallel_loop3A_376 = %broadcast_in_dim3A_253) -> (vector<16xf32>, vector<16xf32>, vector<16xf32>, vector<16xf32>)  : i32 {
          %parallel_loop3A_377 = arith.constant 16 : i32
          %parallel_loop3A_378 = arith.muli %parallel_loop3A_372, %parallel_loop3A_377 : i32
          %parallel_loop3A_379 = arith.constant 0 : i32
          %parallel_loop3A_380 = arith.constant 0 : i32
          %parallel_loop3A_381 = arith.constant 0 : i32
          %parallel_loop3A_382 = tpu.memref_slice %run_scoped3A_21[%rem3A_249, %parallel_loop3A_380, %parallel_loop3A_381] : memref<2x8x2048xf32, #tpu.memory_space<vmem>> -> memref<1x8x2048xf32, #tpu.memory_space<vmem>>
          %parallel_loop3A_383 = tpu.memref_squeeze %parallel_loop3A_382 : memref<1x8x2048xf32, #tpu.memory_space<vmem>> -> memref<8x2048xf32, #tpu.memory_space<vmem>>
          %parallel_loop3A_384 = arith.index_cast %parallel_loop3A_379 : i32 to index
          %parallel_loop3A_385 = arith.index_cast %parallel_loop3A_378 : i32 to index
          %parallel_loop3A_386 = tpu.vector_load %parallel_loop3A_383[%parallel_loop3A_384, %parallel_loop3A_385] {strides = array<i32>} : memref<8x2048xf32, #tpu.memory_space<vmem>>, vector<1x16xf32>,
          %parallel_loop3A_387 = vector.shape_cast %parallel_loop3A_386 : vector<1x16xf32> to vector<16xf32>
          %parallel_loop3A_388 = arith.constant 16 : i32
          %parallel_loop3A_389 = arith.muli %parallel_loop3A_372, %parallel_loop3A_388 : i32
          %parallel_loop3A_390 = arith.constant 0 : i32
          %parallel_loop3A_391 = arith.constant 0 : i32
          %parallel_loop3A_392 = arith.constant 0 : i32
          %parallel_loop3A_393 = tpu.memref_slice %run_scoped3A_23[%rem3A_251, %parallel_loop3A_391, %parallel_loop3A_392] : memref<2x8x2048xf32, #tpu.memory_space<vmem>> -> memref<1x8x2048xf32, #tpu.memory_space<vmem>>
          %parallel_loop3A_394 = tpu.memref_squeeze %parallel_loop3A_393 : memref<1x8x2048xf32, #tpu.memory_space<vmem>> -> memref<8x2048xf32, #tpu.memory_space<vmem>>
          %parallel_loop3A_395 = arith.index_cast %parallel_loop3A_390 : i32 to index
          %parallel_loop3A_396 = arith.index_cast %parallel_loop3A_389 : i32 to index
          %parallel_loop3A_397 = tpu.vector_load %parallel_loop3A_394[%parallel_loop3A_395, %parallel_loop3A_396] {strides = array<i32>} : memref<8x2048xf32, #tpu.memory_space<vmem>>, vector<1x16xf32>,
          %parallel_loop3A_398 = vector.shape_cast %parallel_loop3A_397 : vector<1x16xf32> to vector<16xf32>
          %parallel_loop3A_399 = arith.subf %parallel_loop3A_387, %parallel_loop3A_398 : vector<16xf32>
          %parallel_loop3A_400 = arith.mulf %parallel_loop3A_399, %parallel_loop3A_399 : vector<16xf32>
          %parallel_loop3A_401 = arith.addf %parallel_loop3A_373, %parallel_loop3A_400 : vector<16xf32>
          %parallel_loop3A_402 = arith.mulf %parallel_loop3A_398, %parallel_loop3A_398 : vector<16xf32>
          %parallel_loop3A_403 = arith.addf %parallel_loop3A_375, %parallel_loop3A_402 : vector<16xf32>
          %parallel_loop3A_404 = arith.constant 16 : i32
          %parallel_loop3A_405 = arith.muli %parallel_loop3A_372, %parallel_loop3A_404 : i32
          %parallel_loop3A_406 = arith.constant 1 : i32
          %parallel_loop3A_407 = arith.constant 0 : i32
          %parallel_loop3A_408 = arith.constant 0 : i32
          %parallel_loop3A_409 = tpu.memref_slice %run_scoped3A_21[%rem3A_249, %parallel_loop3A_407, %parallel_loop3A_408] : memref<2x8x2048xf32, #tpu.memory_space<vmem>> -> memref<1x8x2048xf32, #tpu.memory_space<vmem>>
          %parallel_loop3A_410 = tpu.memref_squeeze %parallel_loop3A_409 : memref<1x8x2048xf32, #tpu.memory_space<vmem>> -> memref<8x2048xf32, #tpu.memory_space<vmem>>
          %parallel_loop3A_411 = arith.index_cast %parallel_loop3A_406 : i32 to index
          %parallel_loop3A_412 = arith.index_cast %parallel_loop3A_405 : i32 to index
          %parallel_loop3A_413 = tpu.vector_load %parallel_loop3A_410[%parallel_loop3A_411, %parallel_loop3A_412] {strides = array<i32>} : memref<8x2048xf32, #tpu.memory_space<vmem>>, vector<1x16xf32>,
          %parallel_loop3A_414 = vector.shape_cast %parallel_loop3A_413 : vector<1x16xf32> to vector<16xf32>
          %parallel_loop3A_415 = arith.constant 16 : i32
          %parallel_loop3A_416 = arith.muli %parallel_loop3A_372, %parallel_loop3A_415 : i32
          %parallel_loop3A_417 = arith.constant 1 : i32
          %parallel_loop3A_418 = arith.constant 0 : i32
          %parallel_loop3A_419 = arith.constant 0 : i32
          %parallel_loop3A_420 = tpu.memref_slice %run_scoped3A_23[%rem3A_251, %parallel_loop3A_418, %parallel_loop3A_419] : memref<2x8x2048xf32, #tpu.memory_space<vmem>> -> memref<1x8x2048xf32, #tpu.memory_space<vmem>>
          %parallel_loop3A_421 = tpu.memref_squeeze %parallel_loop3A_420 : memref<1x8x2048xf32, #tpu.memory_space<vmem>> -> memref<8x2048xf32, #tpu.memory_space<vmem>>
          %parallel_loop3A_422 = arith.index_cast %parallel_loop3A_417 : i32 to index
          %parallel_loop3A_423 = arith.index_cast %parallel_loop3A_416 : i32 to index
          %parallel_loop3A_424 = tpu.vector_load %parallel_loop3A_421[%parallel_loop3A_422, %parallel_loop3A_423] {strides = array<i32>} : memref<8x2048xf32, #tpu.memory_space<vmem>>, vector<1x16xf32>,
          %parallel_loop3A_425 = vector.shape_cast %parallel_loop3A_424 : vector<1x16xf32> to vector<16xf32>
          %parallel_loop3A_426 = arith.subf %parallel_loop3A_414, %parallel_loop3A_425 : vector<16xf32>
          %parallel_loop3A_427 = arith.mulf %parallel_loop3A_426, %parallel_loop3A_426 : vector<16xf32>
          %parallel_loop3A_428 = arith.addf %parallel_loop3A_374, %parallel_loop3A_427 : vector<16xf32>
          %parallel_loop3A_429 = arith.mulf %parallel_loop3A_425, %parallel_loop3A_425 : vector<16xf32>
          %parallel_loop3A_430 = arith.addf %parallel_loop3A_376, %parallel_loop3A_429 : vector<16xf32>
          %parallel_loop3A_431 = arith.constant 16 : i32
          %parallel_loop3A_432 = arith.muli %parallel_loop3A_372, %parallel_loop3A_431 : i32
          %parallel_loop3A_433 = arith.constant 2 : i32
          %parallel_loop3A_434 = arith.constant 0 : i32
          %parallel_loop3A_435 = arith.constant 0 : i32
          %parallel_loop3A_436 = tpu.memref_slice %run_scoped3A_21[%rem3A_249, %parallel_loop3A_434, %parallel_loop3A_435] : memref<2x8x2048xf32, #tpu.memory_space<vmem>> -> memref<1x8x2048xf32, #tpu.memory_space<vmem>>
          %parallel_loop3A_437 = tpu.memref_squeeze %parallel_loop3A_436 : memref<1x8x2048xf32, #tpu.memory_space<vmem>> -> memref<8x2048xf32, #tpu.memory_space<vmem>>
          %parallel_loop3A_438 = arith.index_cast %parallel_loop3A_433 : i32 to index
          %parallel_loop3A_439 = arith.index_cast %parallel_loop3A_432 : i32 to index
          %parallel_loop3A_440 = tpu.vector_load %parallel_loop3A_437[%parallel_loop3A_438, %parallel_loop3A_439] {strides = array<i32>} : memref<8x2048xf32, #tpu.memory_space<vmem>>, vector<1x16xf32>,
          %parallel_loop3A_441 = vector.shape_cast %parallel_loop3A_440 : vector<1x16xf32> to vector<16xf32>
          %parallel_loop3A_442 = arith.constant 16 : i32
          %parallel_loop3A_443 = arith.muli %parallel_loop3A_372, %parallel_loop3A_442 : i32
          %parallel_loop3A_444 = arith.constant 2 : i32
          %parallel_loop3A_445 = arith.constant 0 : i32
          %parallel_loop3A_446 = arith.constant 0 : i32
          %parallel_loop3A_447 = tpu.memref_slice %run_scoped3A_23[%rem3A_251, %parallel_loop3A_445, %parallel_loop3A_446] : memref<2x8x2048xf32, #tpu.memory_space<vmem>> -> memref<1x8x2048xf32, #tpu.memory_space<vmem>>
          %parallel_loop3A_448 = tpu.memref_squeeze %parallel_loop3A_447 : memref<1x8x2048xf32, #tpu.memory_space<vmem>> -> memref<8x2048xf32, #tpu.memory_space<vmem>>
          %parallel_loop3A_449 = arith.index_cast %parallel_loop3A_444 : i32 to index
          %parallel_loop3A_450 = arith.index_cast %parallel_loop3A_443 : i32 to index
          %parallel_loop3A_451 = tpu.vector_load %parallel_loop3A_448[%parallel_loop3A_449, %parallel_loop3A_450] {strides = array<i32>} : memref<8x2048xf32, #tpu.memory_space<vmem>>, vector<1x16xf32>,
          %parallel_loop3A_452 = vector.shape_cast %parallel_loop3A_451 : vector<1x16xf32> to vector<16xf32>
          %parallel_loop3A_453 = arith.subf %parallel_loop3A_441, %parallel_loop3A_452 : vector<16xf32>
          %parallel_loop3A_454 = arith.mulf %parallel_loop3A_453, %parallel_loop3A_453 : vector<16xf32>
          %parallel_loop3A_455 = arith.addf %parallel_loop3A_401, %parallel_loop3A_454 : vector<16xf32>
          %parallel_loop3A_456 = arith.mulf %parallel_loop3A_452, %parallel_loop3A_452 : vector<16xf32>
          %parallel_loop3A_457 = arith.addf %parallel_loop3A_403, %parallel_loop3A_456 : vector<16xf32>
          %parallel_loop3A_458 = arith.constant 16 : i32
          %parallel_loop3A_459 = arith.muli %parallel_loop3A_372, %parallel_loop3A_458 : i32
          %parallel_loop3A_460 = arith.constant 3 : i32
          %parallel_loop3A_461 = arith.constant 0 : i32
          %parallel_loop3A_462 = arith.constant 0 : i32
          %parallel_loop3A_463 = tpu.memref_slice %run_scoped3A_21[%rem3A_249, %parallel_loop3A_461, %parallel_loop3A_462] : memref<2x8x2048xf32, #tpu.memory_space<vmem>> -> memref<1x8x2048xf32, #tpu.memory_space<vmem>>
          %parallel_loop3A_464 = tpu.memref_squeeze %parallel_loop3A_463 : memref<1x8x2048xf32, #tpu.memory_space<vmem>> -> memref<8x2048xf32, #tpu.memory_space<vmem>>
          %parallel_loop3A_465 = arith.index_cast %parallel_loop3A_460 : i32 to index
          %parallel_loop3A_466 = arith.index_cast %parallel_loop3A_459 : i32 to index
          %parallel_loop3A_467 = tpu.vector_load %parallel_loop3A_464[%parallel_loop3A_465, %parallel_loop3A_466] {strides = array<i32>} : memref<8x2048xf32, #tpu.memory_space<vmem>>, vector<1x16xf32>,
          %parallel_loop3A_468 = vector.shape_cast %parallel_loop3A_467 : vector<1x16xf32> to vector<16xf32>
          %parallel_loop3A_469 = arith.constant 16 : i32
          %parallel_loop3A_470 = arith.muli %parallel_loop3A_372, %parallel_loop3A_469 : i32
          %parallel_loop3A_471 = arith.constant 3 : i32
          %parallel_loop3A_472 = arith.constant 0 : i32
          %parallel_loop3A_473 = arith.constant 0 : i32
          %parallel_loop3A_474 = tpu.memref_slice %run_scoped3A_23[%rem3A_251, %parallel_loop3A_472, %parallel_loop3A_473] : memref<2x8x2048xf32, #tpu.memory_space<vmem>> -> memref<1x8x2048xf32, #tpu.memory_space<vmem>>
          %parallel_loop3A_475 = tpu.memref_squeeze %parallel_loop3A_474 : memref<1x8x2048xf32, #tpu.memory_space<vmem>> -> memref<8x2048xf32, #tpu.memory_space<vmem>>
          %parallel_loop3A_476 = arith.index_cast %parallel_loop3A_471 : i32 to index
          %parallel_loop3A_477 = arith.index_cast %parallel_loop3A_470 : i32 to index
          %parallel_loop3A_478 = tpu.vector_load %parallel_loop3A_475[%parallel_loop3A_476, %parallel_loop3A_477] {strides = array<i32>} : memref<8x2048xf32, #tpu.memory_space<vmem>>, vector<1x16xf32>,
          %parallel_loop3A_479 = vector.shape_cast %parallel_loop3A_478 : vector<1x16xf32> to vector<16xf32>
          %parallel_loop3A_480 = arith.subf %parallel_loop3A_468, %parallel_loop3A_479 : vector<16xf32>
          %parallel_loop3A_481 = arith.mulf %parallel_loop3A_480, %parallel_loop3A_480 : vector<16xf32>
          %parallel_loop3A_482 = arith.addf %parallel_loop3A_428, %parallel_loop3A_481 : vector<16xf32>
          %parallel_loop3A_483 = arith.mulf %parallel_loop3A_479, %parallel_loop3A_479 : vector<16xf32>
          %parallel_loop3A_484 = arith.addf %parallel_loop3A_430, %parallel_loop3A_483 : vector<16xf32>
          %parallel_loop3A_485 = arith.constant 16 : i32
          %parallel_loop3A_486 = arith.muli %parallel_loop3A_372, %parallel_loop3A_485 : i32
          %parallel_loop3A_487 = arith.constant 4 : i32
          %parallel_loop3A_488 = arith.constant 0 : i32
          %parallel_loop3A_489 = arith.constant 0 : i32
          %parallel_loop3A_490 = tpu.memref_slice %run_scoped3A_21[%rem3A_249, %parallel_loop3A_488, %parallel_loop3A_489] : memref<2x8x2048xf32, #tpu.memory_space<vmem>> -> memref<1x8x2048xf32, #tpu.memory_space<vmem>>
          %parallel_loop3A_491 = tpu.memref_squeeze %parallel_loop3A_490 : memref<1x8x2048xf32, #tpu.memory_space<vmem>> -> memref<8x2048xf32, #tpu.memory_space<vmem>>
          %parallel_loop3A_492 = arith.index_cast %parallel_loop3A_487 : i32 to index
          %parallel_loop3A_493 = arith.index_cast %parallel_loop3A_486 : i32 to index
          %parallel_loop3A_494 = tpu.vector_load %parallel_loop3A_491[%parallel_loop3A_492, %parallel_loop3A_493] {strides = array<i32>} : memref<8x2048xf32, #tpu.memory_space<vmem>>, vector<1x16xf32>,
          %parallel_loop3A_495 = vector.shape_cast %parallel_loop3A_494 : vector<1x16xf32> to vector<16xf32>
          %parallel_loop3A_496 = arith.constant 16 : i32
          %parallel_loop3A_497 = arith.muli %parallel_loop3A_372, %parallel_loop3A_496 : i32
          %parallel_loop3A_498 = arith.constant 4 : i32
          %parallel_loop3A_499 = arith.constant 0 : i32
          %parallel_loop3A_500 = arith.constant 0 : i32
          %parallel_loop3A_501 = tpu.memref_slice %run_scoped3A_23[%rem3A_251, %parallel_loop3A_499, %parallel_loop3A_500] : memref<2x8x2048xf32, #tpu.memory_space<vmem>> -> memref<1x8x2048xf32, #tpu.memory_space<vmem>>
          %parallel_loop3A_502 = tpu.memref_squeeze %parallel_loop3A_501 : memref<1x8x2048xf32, #tpu.memory_space<vmem>> -> memref<8x2048xf32, #tpu.memory_space<vmem>>
          %parallel_loop3A_503 = arith.index_cast %parallel_loop3A_498 : i32 to index
          %parallel_loop3A_504 = arith.index_cast %parallel_loop3A_497 : i32 to index
          %parallel_loop3A_505 = tpu.vector_load %parallel_loop3A_502[%parallel_loop3A_503, %parallel_loop3A_504] {strides = array<i32>} : memref<8x2048xf32, #tpu.memory_space<vmem>>, vector<1x16xf32>,
          %parallel_loop3A_506 = vector.shape_cast %parallel_loop3A_505 : vector<1x16xf32> to vector<16xf32>
          %parallel_loop3A_507 = arith.subf %parallel_loop3A_495, %parallel_loop3A_506 : vector<16xf32>
          %parallel_loop3A_508 = arith.mulf %parallel_loop3A_507, %parallel_loop3A_507 : vector<16xf32>
          %parallel_loop3A_509 = arith.addf %parallel_loop3A_455, %parallel_loop3A_508 : vector<16xf32>
          %parallel_loop3A_510 = arith.mulf %parallel_loop3A_506, %parallel_loop3A_506 : vector<16xf32>
          %parallel_loop3A_511 = arith.addf %parallel_loop3A_457, %parallel_loop3A_510 : vector<16xf32>
          %parallel_loop3A_512 = arith.constant 16 : i32
          %parallel_loop3A_513 = arith.muli %parallel_loop3A_372, %parallel_loop3A_512 : i32
          %parallel_loop3A_514 = arith.constant 5 : i32
          %parallel_loop3A_515 = arith.constant 0 : i32
          %parallel_loop3A_516 = arith.constant 0 : i32
          %parallel_loop3A_517 = tpu.memref_slice %run_scoped3A_21[%rem3A_249, %parallel_loop3A_515, %parallel_loop3A_516] : memref<2x8x2048xf32, #tpu.memory_space<vmem>> -> memref<1x8x2048xf32, #tpu.memory_space<vmem>>
          %parallel_loop3A_518 = tpu.memref_squeeze %parallel_loop3A_517 : memref<1x8x2048xf32, #tpu.memory_space<vmem>> -> memref<8x2048xf32, #tpu.memory_space<vmem>>
          %parallel_loop3A_519 = arith.index_cast %parallel_loop3A_514 : i32 to index
          %parallel_loop3A_520 = arith.index_cast %parallel_loop3A_513 : i32 to index
          %parallel_loop3A_521 = tpu.vector_load %parallel_loop3A_518[%parallel_loop3A_519, %parallel_loop3A_520] {strides = array<i32>} : memref<8x2048xf32, #tpu.memory_space<vmem>>, vector<1x16xf32>,
          %parallel_loop3A_522 = vector.shape_cast %parallel_loop3A_521 : vector<1x16xf32> to vector<16xf32>
          %parallel_loop3A_523 = arith.constant 16 : i32
          %parallel_loop3A_524 = arith.muli %parallel_loop3A_372, %parallel_loop3A_523 : i32
          %parallel_loop3A_525 = arith.constant 5 : i32
          %parallel_loop3A_526 = arith.constant 0 : i32
          %parallel_loop3A_527 = arith.constant 0 : i32
          %parallel_loop3A_528 = tpu.memref_slice %run_scoped3A_23[%rem3A_251, %parallel_loop3A_526, %parallel_loop3A_527] : memref<2x8x2048xf32, #tpu.memory_space<vmem>> -> memref<1x8x2048xf32, #tpu.memory_space<vmem>>
          %parallel_loop3A_529 = tpu.memref_squeeze %parallel_loop3A_528 : memref<1x8x2048xf32, #tpu.memory_space<vmem>> -> memref<8x2048xf32, #tpu.memory_space<vmem>>
          %parallel_loop3A_530 = arith.index_cast %parallel_loop3A_525 : i32 to index
          %parallel_loop3A_531 = arith.index_cast %parallel_loop3A_524 : i32 to index
          %parallel_loop3A_532 = tpu.vector_load %parallel_loop3A_529[%parallel_loop3A_530, %parallel_loop3A_531] {strides = array<i32>} : memref<8x2048xf32, #tpu.memory_space<vmem>>, vector<1x16xf32>,
          %parallel_loop3A_533 = vector.shape_cast %parallel_loop3A_532 : vector<1x16xf32> to vector<16xf32>
          %parallel_loop3A_534 = arith.subf %parallel_loop3A_522, %parallel_loop3A_533 : vector<16xf32>
          %parallel_loop3A_535 = arith.mulf %parallel_loop3A_534, %parallel_loop3A_534 : vector<16xf32>
          %parallel_loop3A_536 = arith.addf %parallel_loop3A_482, %parallel_loop3A_535 : vector<16xf32>
          %parallel_loop3A_537 = arith.mulf %parallel_loop3A_533, %parallel_loop3A_533 : vector<16xf32>
          %parallel_loop3A_538 = arith.addf %parallel_loop3A_484, %parallel_loop3A_537 : vector<16xf32>
          %parallel_loop3A_539 = arith.constant 16 : i32
          %parallel_loop3A_540 = arith.muli %parallel_loop3A_372, %parallel_loop3A_539 : i32
          %parallel_loop3A_541 = arith.constant 6 : i32
          %parallel_loop3A_542 = arith.constant 0 : i32
          %parallel_loop3A_543 = arith.constant 0 : i32
          %parallel_loop3A_544 = tpu.memref_slice %run_scoped3A_21[%rem3A_249, %parallel_loop3A_542, %parallel_loop3A_543] : memref<2x8x2048xf32, #tpu.memory_space<vmem>> -> memref<1x8x2048xf32, #tpu.memory_space<vmem>>
          %parallel_loop3A_545 = tpu.memref_squeeze %parallel_loop3A_544 : memref<1x8x2048xf32, #tpu.memory_space<vmem>> -> memref<8x2048xf32, #tpu.memory_space<vmem>>
          %parallel_loop3A_546 = arith.index_cast %parallel_loop3A_541 : i32 to index
          %parallel_loop3A_547 = arith.index_cast %parallel_loop3A_540 : i32 to index
          %parallel_loop3A_548 = tpu.vector_load %parallel_loop3A_545[%parallel_loop3A_546, %parallel_loop3A_547] {strides = array<i32>} : memref<8x2048xf32, #tpu.memory_space<vmem>>, vector<1x16xf32>,
          %parallel_loop3A_549 = vector.shape_cast %parallel_loop3A_548 : vector<1x16xf32> to vector<16xf32>
          %parallel_loop3A_550 = arith.constant 16 : i32
          %parallel_loop3A_551 = arith.muli %parallel_loop3A_372, %parallel_loop3A_550 : i32
          %parallel_loop3A_552 = arith.constant 6 : i32
          %parallel_loop3A_553 = arith.constant 0 : i32
          %parallel_loop3A_554 = arith.constant 0 : i32
          %parallel_loop3A_555 = tpu.memref_slice %run_scoped3A_23[%rem3A_251, %parallel_loop3A_553, %parallel_loop3A_554] : memref<2x8x2048xf32, #tpu.memory_space<vmem>> -> memref<1x8x2048xf32, #tpu.memory_space<vmem>>
          %parallel_loop3A_556 = tpu.memref_squeeze %parallel_loop3A_555 : memref<1x8x2048xf32, #tpu.memory_space<vmem>> -> memref<8x2048xf32, #tpu.memory_space<vmem>>
          %parallel_loop3A_557 = arith.index_cast %parallel_loop3A_552 : i32 to index
          %parallel_loop3A_558 = arith.index_cast %parallel_loop3A_551 : i32 to index
          %parallel_loop3A_559 = tpu.vector_load %parallel_loop3A_556[%parallel_loop3A_557, %parallel_loop3A_558] {strides = array<i32>} : memref<8x2048xf32, #tpu.memory_space<vmem>>, vector<1x16xf32>,
          %parallel_loop3A_560 = vector.shape_cast %parallel_loop3A_559 : vector<1x16xf32> to vector<16xf32>
          %parallel_loop3A_561 = arith.subf %parallel_loop3A_549, %parallel_loop3A_560 : vector<16xf32>
          %parallel_loop3A_562 = arith.mulf %parallel_loop3A_561, %parallel_loop3A_561 : vector<16xf32>
          %parallel_loop3A_563 = arith.addf %parallel_loop3A_509, %parallel_loop3A_562 : vector<16xf32>
          %parallel_loop3A_564 = arith.mulf %parallel_loop3A_560, %parallel_loop3A_560 : vector<16xf32>
          %parallel_loop3A_565 = arith.addf %parallel_loop3A_511, %parallel_loop3A_564 : vector<16xf32>
          %parallel_loop3A_566 = arith.constant 16 : i32
          %parallel_loop3A_567 = arith.muli %parallel_loop3A_372, %parallel_loop3A_566 : i32
          %parallel_loop3A_568 = arith.constant 7 : i32
          %parallel_loop3A_569 = arith.constant 0 : i32
          %parallel_loop3A_570 = arith.constant 0 : i32
          %parallel_loop3A_571 = tpu.memref_slice %run_scoped3A_21[%rem3A_249, %parallel_loop3A_569, %parallel_loop3A_570] : memref<2x8x2048xf32, #tpu.memory_space<vmem>> -> memref<1x8x2048xf32, #tpu.memory_space<vmem>>
          %parallel_loop3A_572 = tpu.memref_squeeze %parallel_loop3A_571 : memref<1x8x2048xf32, #tpu.memory_space<vmem>> -> memref<8x2048xf32, #tpu.memory_space<vmem>>
          %parallel_loop3A_573 = arith.index_cast %parallel_loop3A_568 : i32 to index
          %parallel_loop3A_574 = arith.index_cast %parallel_loop3A_567 : i32 to index
          %parallel_loop3A_575 = tpu.vector_load %parallel_loop3A_572[%parallel_loop3A_573, %parallel_loop3A_574] {strides = array<i32>} : memref<8x2048xf32, #tpu.memory_space<vmem>>, vector<1x16xf32>,
          %parallel_loop3A_576 = vector.shape_cast %parallel_loop3A_575 : vector<1x16xf32> to vector<16xf32>
          %parallel_loop3A_577 = arith.constant 16 : i32
          %parallel_loop3A_578 = arith.muli %parallel_loop3A_372, %parallel_loop3A_577 : i32
          %parallel_loop3A_579 = arith.constant 7 : i32
          %parallel_loop3A_580 = arith.constant 0 : i32
          %parallel_loop3A_581 = arith.constant 0 : i32
          %parallel_loop3A_582 = tpu.memref_slice %run_scoped3A_23[%rem3A_251, %parallel_loop3A_580, %parallel_loop3A_581] : memref<2x8x2048xf32, #tpu.memory_space<vmem>> -> memref<1x8x2048xf32, #tpu.memory_space<vmem>>
          %parallel_loop3A_583 = tpu.memref_squeeze %parallel_loop3A_582 : memref<1x8x2048xf32, #tpu.memory_space<vmem>> -> memref<8x2048xf32, #tpu.memory_space<vmem>>
          %parallel_loop3A_584 = arith.index_cast %parallel_loop3A_579 : i32 to index
          %parallel_loop3A_585 = arith.index_cast %parallel_loop3A_578 : i32 to index
          %parallel_loop3A_586 = tpu.vector_load %parallel_loop3A_583[%parallel_loop3A_584, %parallel_loop3A_585] {strides = array<i32>} : memref<8x2048xf32, #tpu.memory_space<vmem>>, vector<1x16xf32>,
          %parallel_loop3A_587 = vector.shape_cast %parallel_loop3A_586 : vector<1x16xf32> to vector<16xf32>
          %parallel_loop3A_588 = arith.subf %parallel_loop3A_576, %parallel_loop3A_587 : vector<16xf32>
          %parallel_loop3A_589 = arith.mulf %parallel_loop3A_588, %parallel_loop3A_588 : vector<16xf32>
          %parallel_loop3A_590 = arith.addf %parallel_loop3A_536, %parallel_loop3A_589 : vector<16xf32>
          %parallel_loop3A_591 = arith.mulf %parallel_loop3A_587, %parallel_loop3A_587 : vector<16xf32>
          %parallel_loop3A_592 = arith.addf %parallel_loop3A_538, %parallel_loop3A_591 : vector<16xf32>
          scf.yield %parallel_loop3A_563, %parallel_loop3A_590, %parallel_loop3A_565, %parallel_loop3A_592 : vector<16xf32>, vector<16xf32>, vector<16xf32>, vector<16xf32>
        } {sc.loop_unroll_factor = 4 : i64, sc.parallel_access}
        %get3A = arith.constant 0 : index
        %get3A_257 = tpu.vector_load %arg5[%get3A] {strides = array<i32>} : memref<16xf32, #tpu.memory_space<vmem>>, vector<16xf32>,
        %get3A_258 = vector.shape_cast %get3A_257 : vector<16xf32> to vector<16xf32>
        %add3A_259 = arith.addf %parallel_loop3A_256#0, %parallel_loop3A_256#1 : vector<16xf32>
        %add3A_260 = arith.addf %get3A_258, %add3A_259 : vector<16xf32>
        %swap3A_261 = arith.constant 0 : index
        %swap3A_262 = tpu.vector_load %arg5[%swap3A_261] {strides = array<i32>} : memref<16xf32, #tpu.memory_space<vmem>>, vector<16xf32>,
        %swap3A_263 = vector.shape_cast %swap3A_262 : vector<16xf32> to vector<16xf32>
        %swap3A_264 = vector.shape_cast %add3A_260 : vector<16xf32> to vector<16xf32>
        tpu.vector_store %arg5[%swap3A_261], %swap3A_264 {strides = array<i32>} : memref<16xf32, #tpu.memory_space<vmem>>, vector<16xf32>,
        %get3A_265 = arith.constant 0 : index
        %get3A_266 = tpu.vector_load %arg6[%get3A_265] {strides = array<i32>} : memref<16xf32, #tpu.memory_space<vmem>>, vector<16xf32>,
        %get3A_267 = vector.shape_cast %get3A_266 : vector<16xf32> to vector<16xf32>
        %add3A_268 = arith.addf %parallel_loop3A_256#2, %parallel_loop3A_256#3 : vector<16xf32>
        %add3A_269 = arith.addf %get3A_267, %add3A_268 : vector<16xf32>
        %swap3A_270 = arith.constant 0 : index
        %swap3A_271 = tpu.vector_load %arg6[%swap3A_270] {strides = array<i32>} : memref<16xf32, #tpu.memory_space<vmem>>, vector<16xf32>,
        %swap3A_272 = vector.shape_cast %swap3A_271 : vector<16xf32> to vector<16xf32>
        %swap3A_273 = vector.shape_cast %add3A_269 : vector<16xf32> to vector<16xf32>
        tpu.vector_store %arg6[%swap3A_270], %swap3A_273 {strides = array<i32>} : memref<16xf32, #tpu.memory_space<vmem>>, vector<16xf32>,
        "tpu.trace_stop"() : () -> ()
        %add3A_274 = arith.constant 1984 : i32
        %add3A_275 = arith.addi %add3A_157, %add3A_274 : i32
        %add3A_276 = arith.constant 1984 : i32
        %add3A_277 = arith.addi %add3A_175, %add3A_276 : i32
        %ne3A_278 = arith.cmpi ne, %add3A_275, %add3A_277 : i32
        %or3A_279 = arith.constant false
        %or3A_280 = arith.ori %or3A_279, %ne3A_278 : i1
        %or3A_281 = arith.constant false
        %or3A_282 = arith.ori %or3A_280, %or3A_281 : i1
        %or3A_283 = arith.ori %or3A_282, %eq3A_156 : i1
        %convert_element_type3A_284 = arith.extui %or3A_283 : i1 to i32
        %cond3A_285 = arith.constant 0 : i32
        %cond3A_286 = arith.cmpi ne, %convert_element_type3A_284, %cond3A_285 : i32
        scf.if %cond3A_286 {
        } else {
        }
        %and3A_287 = arith.constant false
        %and3A_288 = arith.andi %or3A_283, %and3A_287 : i1
        %add3A_289 = arith.constant 1984 : i32
        %add3A_290 = arith.addi %add3A_157, %add3A_289 : i32
        %add3A_291 = arith.constant 1984 : i32
        %add3A_292 = arith.addi %add3A_175, %add3A_291 : i32
        %ne3A_293 = arith.cmpi ne, %add3A_290, %add3A_292 : i32
        %or3A_294 = arith.constant false
        %or3A_295 = arith.ori %or3A_294, %ne3A_293 : i1
        %or3A_296 = arith.constant false
        %or3A_297 = arith.ori %or3A_295, %or3A_296 : i1
        %or3A_298 = arith.ori %or3A_297, %eq3A_156 : i1
        %convert_element_type3A_299 = arith.extui %or3A_298 : i1 to i32
        %cond3A_300 = arith.constant 0 : i32
        %cond3A_301 = arith.cmpi ne, %convert_element_type3A_299, %cond3A_300 : i32
        scf.if %cond3A_301 {
        } else {
        }
        %and3A_302 = arith.constant false
        %and3A_303 = arith.andi %or3A_298, %and3A_302 : i1
        %add3A_304 = arith.constant 1984 : i32
        %add3A_305 = arith.addi %add3A_157, %add3A_304 : i32
        %add3A_306 = arith.constant 1984 : i32
        %add3A_307 = arith.addi %add3A_166, %add3A_306 : i32
        %ne3A_308 = arith.cmpi ne, %add3A_305, %add3A_307 : i32
        %or3A_309 = arith.constant false
        %or3A_310 = arith.ori %or3A_309, %ne3A_308 : i1
        %or3A_311 = arith.constant false
        %or3A_312 = arith.ori %or3A_310, %or3A_311 : i1
        %not3A_313 = arith.constant true
        %not3A_314 = arith.xori %eq3A_154, %not3A_313 : i1
        %and3A_315 = arith.andi %or3A_312, %not3A_314 : i1
        %convert_element_type3A_316 = arith.extui %and3A_315 : i1 to i32
        %cond3A_317 = arith.constant 0 : i32
        %cond3A_318 = arith.cmpi ne, %convert_element_type3A_316, %cond3A_317 : i32
        scf.if %cond3A_318 {
        } else {
        }
        %and3A_319 = arith.constant false
        %and3A_320 = arith.andi %and3A_315, %and3A_319 : i1
        %add3A_321 = arith.constant 1984 : i32
        %add3A_322 = arith.addi %add3A_157, %add3A_321 : i32
        %add3A_323 = arith.constant 1984 : i32
        %add3A_324 = arith.addi %add3A_166, %add3A_323 : i32
        %ne3A_325 = arith.cmpi ne, %add3A_322, %add3A_324 : i32
        %or3A_326 = arith.constant false
        %or3A_327 = arith.ori %or3A_326, %ne3A_325 : i1
        %or3A_328 = arith.constant false
        %or3A_329 = arith.ori %or3A_327, %or3A_328 : i1
        %not3A_330 = arith.constant true
        %not3A_331 = arith.xori %eq3A_154, %not3A_330 : i1
        %and3A_332 = arith.andi %or3A_329, %not3A_331 : i1
        %convert_element_type3A_333 = arith.extui %and3A_332 : i1 to i32
        %cond3A_334 = arith.constant 0 : i32
        %cond3A_335 = arith.cmpi ne, %convert_element_type3A_333, %cond3A_334 : i32
        scf.if %cond3A_335 {
        } else {
        }
        %and3A_336 = arith.constant false
        %and3A_337 = arith.andi %and3A_332, %and3A_336 : i1
        %add3A_338 = arith.constant 1984 : i32
        %add3A_339 = arith.addi %add3A_157, %add3A_338 : i32
        %add3A_340 = arith.constant 1984 : i32
        %add3A_341 = arith.addi %add3A_175, %add3A_340 : i32
        %ne3A_342 = arith.cmpi ne, %add3A_339, %add3A_341 : i32
        %or3A_343 = arith.constant false
        %or3A_344 = arith.ori %or3A_343, %ne3A_342 : i1
        %or3A_345 = arith.constant false
        %or3A_346 = arith.ori %or3A_344, %or3A_345 : i1
        %or3A_347 = arith.ori %or3A_346, %eq3A_156 : i1
        %add3A_348 = arith.constant 1 : i32
        %add3A_349 = arith.addi %scan3A_149, %add3A_348 : i32
        %select_n3A_350 = arith.select %or3A_347, %add3A_349, %scan3A_149 : i32
        %add3A_351 = arith.constant 1984 : i32
        %add3A_352 = arith.addi %add3A_157, %add3A_351 : i32
        %add3A_353 = arith.constant 1984 : i32
        %add3A_354 = arith.addi %add3A_175, %add3A_353 : i32
        %ne3A_355 = arith.cmpi ne, %add3A_352, %add3A_354 : i32
        %or3A_356 = arith.constant false
        %or3A_357 = arith.ori %or3A_356, %ne3A_355 : i1
        %or3A_358 = arith.constant false
        %or3A_359 = arith.ori %or3A_357, %or3A_358 : i1
        %or3A_360 = arith.ori %or3A_359, %eq3A_156 : i1
        %add3A_361 = arith.constant 1 : i32
        %add3A_362 = arith.addi %scan3A_151, %add3A_361 : i32
        %select_n3A_363 = arith.select %or3A_360, %add3A_362, %scan3A_151 : i32
        %add3A_364 = arith.constant 1 : i32
        %add3A_365 = arith.addi %scan3A_152, %add3A_364 : i32
        %select_n3A_366 = arith.constant true
        %select_n3A_367 = arith.select %select_n3A_366, %add3A_365, %scan3A_152 : i32
        %eq3A_368 = arith.constant 2 : i32
        %eq3A_369 = arith.cmpi eq, %select_n3A_367, %eq3A_368 : i32
        %select_n3A_370 = arith.constant 0 : i32
        %select_n3A_371 = arith.select %eq3A_369, %select_n3A_370, %select_n3A_367 : i32
        scf.yield %select_n3A_199, %select_n3A_350, %select_n3A_221, %select_n3A_363, %select_n3A_371 : i32, i32, i32, i32, i32
      }
      %scan3A_111 = arith.constant 2 : i32
      %sub3A = arith.constant 1 : i32
      %sub3A_112 = arith.subi %scan3A_110#4, %sub3A : i32
      %select_n3A_113 = arith.constant true
      %select_n3A_114 = arith.select %select_n3A_113, %sub3A_112, %scan3A_110#4 : i32
      %eq3A_115 = arith.constant -1 : i32
      %eq3A_116 = arith.cmpi eq, %select_n3A_114, %eq3A_115 : i32
      %select_n3A_117 = arith.constant 1 : i32
      %select_n3A_118 = arith.select %eq3A_116, %select_n3A_117, %select_n3A_114 : i32
      %add3A_119 = arith.addi %select_n3A_118, %mul3A_16 : i32
      %sub3A_120 = arith.constant 1 : i32
      %sub3A_121 = arith.subi %select_n3A_118, %sub3A_120 : i32
      %select_n3A_122 = arith.constant true
      %select_n3A_123 = arith.select %select_n3A_122, %sub3A_121, %select_n3A_118 : i32
      %eq3A_124 = arith.constant -1 : i32
      %eq3A_125 = arith.cmpi eq, %select_n3A_123, %eq3A_124 : i32
      %select_n3A_126 = arith.constant 1 : i32
      %select_n3A_127 = arith.select %eq3A_125, %select_n3A_126, %select_n3A_123 : i32
      %add3A_128 = arith.addi %select_n3A_127, %mul3A_16 : i32
      %add3A_129 = arith.constant 1 : i32
      %add3A_130 = arith.addi %select_n3A_118, %add3A_129 : i32
      %select_n3A_131 = arith.constant true
      %select_n3A_132 = arith.select %select_n3A_131, %add3A_130, %select_n3A_118 : i32
      %eq3A_133 = arith.constant 2 : i32
      %eq3A_134 = arith.cmpi eq, %select_n3A_132, %eq3A_133 : i32
      %select_n3A_135 = arith.constant 0 : i32
      %select_n3A_136 = arith.select %eq3A_134, %select_n3A_135, %select_n3A_132 : i32
      %add3A_137 = arith.addi %select_n3A_136, %mul3A_16 : i32
      %add3A_138 = arith.constant 1 : i32
      %add3A_139 = arith.addi %select_n3A_136, %add3A_138 : i32
      %select_n3A_140 = arith.constant true
      %select_n3A_141 = arith.select %select_n3A_140, %add3A_139, %select_n3A_136 : i32
      %eq3A_142 = arith.constant 2 : i32
      %eq3A_143 = arith.cmpi eq, %select_n3A_141, %eq3A_142 : i32
      %select_n3A_144 = arith.constant 0 : i32
      %select_n3A_145 = arith.select %eq3A_143, %select_n3A_144, %select_n3A_141 : i32
      %add3A_146 = arith.addi %select_n3A_145, %mul3A_16 : i32
      tpu.yield
    }) : () -> ()
    %mul3A_17 = arith.constant 2 : i32
    %mul3A_18 = arith.muli %arg1, %mul3A_17 : i32
    %add3A_19 = arith.addi %mul3A_18, %arg0 : i32
    %run_scoped3A = arith.constant 0 : i32
    "tpu.region"() ({
      %run_scoped3A_21 = tpu.sem_alloc : memref<!tpu.dma_semaphore, #tpu.memory_space<semaphore_mem>>
      %dma_start3A = arith.constant 0 : i32
      %dma_start3A_22 = tpu.memref_slice %arg4[%add3A_19, %run_scoped3A, %dma_start3A] : memref<32x2x16xf32, #tpu.memory_space<hbm>> -> memref<1x1x16xf32, #tpu.memory_space<hbm>>
      %dma_start3A_23 = tpu.memref_squeeze %dma_start3A_22 : memref<1x1x16xf32, #tpu.memory_space<hbm>> -> memref<16xf32, #tpu.memory_space<hbm>>
      %dma_start3A_24 = arith.constant 0 : i32
      %dma_start3A_25 = tpu.memref_slice %arg4[%add3A_19, %run_scoped3A, %dma_start3A_24] : memref<32x2x16xf32, #tpu.memory_space<hbm>> -> memref<1x1x16xf32, #tpu.memory_space<hbm>>
      %dma_start3A_26 = tpu.memref_squeeze %dma_start3A_25 : memref<1x1x16xf32, #tpu.memory_space<hbm>> -> memref<16xf32, #tpu.memory_space<hbm>>
      tpu.enqueue_dma source(%arg5 : memref<16xf32, #tpu.memory_space<vmem>>) target(%dma_start3A_26 : memref<16xf32, #tpu.memory_space<hbm>>) target_semaphore(%run_scoped3A_21 : memref<!tpu.dma_semaphore, #tpu.memory_space<semaphore_mem>>)
      %dma_wait3A = arith.constant 0 : i32
      %dma_wait3A_27 = tpu.memref_slice %arg4[%add3A_19, %run_scoped3A, %dma_wait3A] : memref<32x2x16xf32, #tpu.memory_space<hbm>> -> memref<1x1x16xf32, #tpu.memory_space<hbm>>
      %dma_wait3A_28 = tpu.memref_squeeze %dma_wait3A_27 : memref<1x1x16xf32, #tpu.memory_space<hbm>> -> memref<16xf32, #tpu.memory_space<hbm>>
      %dma_wait3A_29 = arith.constant 0 : i32
      %dma_wait3A_30 = tpu.memref_slice %arg4[%add3A_19, %run_scoped3A, %dma_wait3A_29] : memref<32x2x16xf32, #tpu.memory_space<hbm>> -> memref<1x1x16xf32, #tpu.memory_space<hbm>>
      %dma_wait3A_31 = tpu.memref_squeeze %dma_wait3A_30 : memref<1x1x16xf32, #tpu.memory_space<hbm>> -> memref<16xf32, #tpu.memory_space<hbm>>
      tpu.wait_dma2 semaphore(%run_scoped3A_21 : memref<!tpu.dma_semaphore, #tpu.memory_space<semaphore_mem>>) src(%arg5 : memref<16xf32, #tpu.memory_space<vmem>>) dst(%dma_wait3A_31 : memref<16xf32, #tpu.memory_space<hbm>>)
      tpu.yield
    }) : () -> ()
    %run_scoped3A_20 = arith.constant 1 : i32
    "tpu.region"() ({
      %run_scoped3A_21 = tpu.sem_alloc : memref<!tpu.dma_semaphore, #tpu.memory_space<semaphore_mem>>
      %dma_start3A = arith.constant 0 : i32
      %dma_start3A_22 = tpu.memref_slice %arg4[%add3A_19, %run_scoped3A_20, %dma_start3A] : memref<32x2x16xf32, #tpu.memory_space<hbm>> -> memref<1x1x16xf32, #tpu.memory_space<hbm>>
      %dma_start3A_23 = tpu.memref_squeeze %dma_start3A_22 : memref<1x1x16xf32, #tpu.memory_space<hbm>> -> memref<16xf32, #tpu.memory_space<hbm>>
      %dma_start3A_24 = arith.constant 0 : i32
      %dma_start3A_25 = tpu.memref_slice %arg4[%add3A_19, %run_scoped3A_20, %dma_start3A_24] : memref<32x2x16xf32, #tpu.memory_space<hbm>> -> memref<1x1x16xf32, #tpu.memory_space<hbm>>
      %dma_start3A_26 = tpu.memref_squeeze %dma_start3A_25 : memref<1x1x16xf32, #tpu.memory_space<hbm>> -> memref<16xf32, #tpu.memory_space<hbm>>
      tpu.enqueue_dma source(%arg6 : memref<16xf32, #tpu.memory_space<vmem>>) target(%dma_start3A_26 : memref<16xf32, #tpu.memory_space<hbm>>) target_semaphore(%run_scoped3A_21 : memref<!tpu.dma_semaphore, #tpu.memory_space<semaphore_mem>>)
      %dma_wait3A = arith.constant 0 : i32
      %dma_wait3A_27 = tpu.memref_slice %arg4[%add3A_19, %run_scoped3A_20, %dma_wait3A] : memref<32x2x16xf32, #tpu.memory_space<hbm>> -> memref<1x1x16xf32, #tpu.memory_space<hbm>>
      %dma_wait3A_28 = tpu.memref_squeeze %dma_wait3A_27 : memref<1x1x16xf32, #tpu.memory_space<hbm>> -> memref<16xf32, #tpu.memory_space<hbm>>
      %dma_wait3A_29 = arith.constant 0 : i32
      %dma_wait3A_30 = tpu.memref_slice %arg4[%add3A_19, %run_scoped3A_20, %dma_wait3A_29] : memref<32x2x16xf32, #tpu.memory_space<hbm>> -> memref<1x1x16xf32, #tpu.memory_space<hbm>>
      %dma_wait3A_31 = tpu.memref_squeeze %dma_wait3A_30 : memref<1x1x16xf32, #tpu.memory_space<hbm>> -> memref<16xf32, #tpu.memory_space<hbm>>
      tpu.wait_dma2 semaphore(%run_scoped3A_21 : memref<!tpu.dma_semaphore, #tpu.memory_space<semaphore_mem>>) src(%arg6 : memref<16xf32, #tpu.memory_space<vmem>>) dst(%dma_wait3A_31 : memref<16xf32, #tpu.memory_space<hbm>>)
      tpu.yield
    }) : () -> ()
    return
  }
}

module attributes {stable_mosaic.version = 14 : i64} {
  func.func @_tc_kernel(%arg0: i32, %arg1: memref<512x2048xf32, #tpu.memory_space<vmem>>, %arg2: memref<512x2048xf32, #tpu.memory_space<vmem>>, %arg3: memref<2xf32, #tpu.memory_space<smem>>, %arg4: memref<2xf32, #tpu.memory_space<smem>>) attributes {dimension_semantics = [#tpu.dimension_semantics<arbitrary>], iteration_bounds = array<i64: 31>, scalar_prefetch = 0 : i64, scratch_operands = 1 : i64, tpu.core_type = #tpu.core_type<tc>, window_params = [{transform_indices = @transform_0, window_bounds = array<i64: 512, 2048>}, {transform_indices = @transform_1, window_bounds = array<i64: 512, 2048>}, {transform_indices = @transform_2, window_bounds = array<i64: 2>}]} {
    %eq3A = arith.constant 0 : i32
    %eq3A_0 = arith.cmpi eq, %arg0, %eq3A : i32
    %convert_element_type3A = arith.extui %eq3A_0 : i1 to i32
    %cond3A = arith.constant 0 : i32
    %cond3A_1 = arith.cmpi ne, %convert_element_type3A, %cond3A : i32
    scf.if %cond3A_1 {
      %swap3A_30 = arith.constant 0.000000e+00 : f32
      %swap3A_31 = arith.constant 0 : index
      %swap3A_32 = memref.load %arg4[%swap3A_31] : memref<2xf32, #tpu.memory_space<smem>>
      memref.store %swap3A_30, %arg4[%swap3A_31] : memref<2xf32, #tpu.memory_space<smem>>
      %swap3A_33 = arith.constant 0.000000e+00 : f32
      %swap3A_34 = arith.constant 1 : index
      %swap3A_35 = memref.load %arg4[%swap3A_34] : memref<2xf32, #tpu.memory_space<smem>>
      memref.store %swap3A_33, %arg4[%swap3A_34] : memref<2xf32, #tpu.memory_space<smem>>
    } else {
    }
    %get3A = arith.constant 0 : index
    %get3A_2 = arith.constant 0 : index
    %get3A_3 = vector.load %arg1[%get3A, %get3A_2] : memref<512x2048xf32, #tpu.memory_space<vmem>>, vector<512x2048xf32>
    %get3A_4 = arith.constant 0 : index
    %get3A_5 = arith.constant 0 : index
    %get3A_6 = vector.load %arg2[%get3A_4, %get3A_5] : memref<512x2048xf32, #tpu.memory_space<vmem>>, vector<512x2048xf32>
    %sub3A = arith.subf %get3A_3, %get3A_6 : vector<512x2048xf32>
    %get3A_7 = arith.constant 0 : index
    %get3A_8 = memref.load %arg4[%get3A_7] : memref<2xf32, #tpu.memory_space<smem>>
    %mul3A = arith.mulf %sub3A, %sub3A : vector<512x2048xf32>
    %reduce_sum3A = vector.shape_cast %mul3A : vector<512x2048xf32> to vector<1x512x2048xf32>
    %reduce_sum3A_9 = arith.constant dense<0.000000e+00> : vector<1xf32>
    %reduce_sum3A_10 = vector.multi_reduction <add>, %reduce_sum3A, %reduce_sum3A_9 [1, 2] : vector<1x512x2048xf32> to vector<1xf32>
    %reduce_sum3A_11 = vector.shape_cast %reduce_sum3A_10 : vector<1xf32> to vector<1x1x1xf32>
    %reduce_sum3A_12 = vector.extract %reduce_sum3A_11[0, 0, 0] : f32 from vector<1x1x1xf32>
    %add3A = arith.addf %get3A_8, %reduce_sum3A_12 : f32
    %swap3A = arith.constant 0 : index
    %swap3A_13 = memref.load %arg4[%swap3A] : memref<2xf32, #tpu.memory_space<smem>>
    memref.store %add3A, %arg4[%swap3A] : memref<2xf32, #tpu.memory_space<smem>>
    %get3A_14 = arith.constant 1 : index
    %get3A_15 = memref.load %arg4[%get3A_14] : memref<2xf32, #tpu.memory_space<smem>>
    %mul3A_16 = arith.mulf %get3A_6, %get3A_6 : vector<512x2048xf32>
    %reduce_sum3A_17 = vector.shape_cast %mul3A_16 : vector<512x2048xf32> to vector<1x512x2048xf32>
    %reduce_sum3A_18 = arith.constant dense<0.000000e+00> : vector<1xf32>
    %reduce_sum3A_19 = vector.multi_reduction <add>, %reduce_sum3A_17, %reduce_sum3A_18 [1, 2] : vector<1x512x2048xf32> to vector<1xf32>
    %reduce_sum3A_20 = vector.shape_cast %reduce_sum3A_19 : vector<1xf32> to vector<1x1x1xf32>
    %reduce_sum3A_21 = vector.extract %reduce_sum3A_20[0, 0, 0] : f32 from vector<1x1x1xf32>
    %add3A_22 = arith.addf %get3A_15, %reduce_sum3A_21 : f32
    %swap3A_23 = arith.constant 1 : index
    %swap3A_24 = memref.load %arg4[%swap3A_23] : memref<2xf32, #tpu.memory_space<smem>>
    memref.store %add3A_22, %arg4[%swap3A_23] : memref<2xf32, #tpu.memory_space<smem>>
    %eq3A_25 = arith.constant 30 : i32
    %eq3A_26 = arith.cmpi eq, %arg0, %eq3A_25 : i32
    %convert_element_type3A_27 = arith.extui %eq3A_26 : i1 to i32
    %cond3A_28 = arith.constant 0 : i32
    %cond3A_29 = arith.cmpi ne, %convert_element_type3A_27, %cond3A_28 : i32
    scf.if %cond3A_29 {
      %get3A_30 = arith.constant 0 : index
      %get3A_31 = memref.load %arg4[%get3A_30] : memref<2xf32, #tpu.memory_space<smem>>
      %swap3A_32 = arith.constant 0 : index
      %swap3A_33 = memref.load %arg3[%swap3A_32] : memref<2xf32, #tpu.memory_space<smem>>
      memref.store %get3A_31, %arg3[%swap3A_32] : memref<2xf32, #tpu.memory_space<smem>>
      %get3A_34 = arith.constant 1 : index
      %get3A_35 = memref.load %arg4[%get3A_34] : memref<2xf32, #tpu.memory_space<smem>>
      %swap3A_36 = arith.constant 1 : index
      %swap3A_37 = memref.load %arg3[%swap3A_36] : memref<2xf32, #tpu.memory_space<smem>>
      memref.store %get3A_35, %arg3[%swap3A_36] : memref<2xf32, #tpu.memory_space<smem>>
    } else {
    }
    return
  }
  func.func @transform_0(%arg0: i32) -> (i32, i32) {
    %c0_i32 = arith.constant 0 : i32
    %c0_i32_0 = arith.constant 0 : i32
    return %arg0, %c0_i32 : i32, i32
  }
  func.func @transform_1(%arg0: i32) -> (i32, i32) {
    %c0_i32 = arith.constant 0 : i32
    %c0_i32_0 = arith.constant 0 : i32
    return %arg0, %c0_i32 : i32, i32
  }
  func.func @transform_2(%arg0: i32) -> i32 {
    %c0_i32 = arith.constant 0 : i32
    %c0_i32_0 = arith.constant 0 : i32
    return %c0_i32 : i32
  }
}

</mosaic_0001>

<sc_bundles>
// kernel: kernel.4.cloned.1.call-start
scs
__scs_entry_jumppad:
0x0: {  	(pc) =	sbr.rel $0x88, $3  }
0x1: {  	(tag) =	ssettag $0x0;
	lr =	simm.s32 $0x1  }
0x2: {  	[smem:$0x3F9F] =	sst lr;
	_ =	strace $0xD0000000  }
0x3: {  	_ = 	snop  }
0x4: {  	_ = 	snop  }
0x5: {  	_ = 	snop  }
0x6: {  	_ = 	snop  }
0x7: {  	_ = 	snop  }
__scs_overlays_trampoline_lowered:
0x8: {  	[smem:$0x3FAE] =	sst s0  }
0x9: {  	[smem:$0x3FAF] =	sst s1  }
0xa: {  	[smem:$0x3FB0] =	sst s2  }
0xb: {  	[smem:$0x3FB1] =	sst s3  }
0xc: {  	[smem:$0x3FB2] =	sst s4  }
0xd: {  	[smem:$0x3FB3] =	sst s5  }
0xe: {  	[smem:$0x3FB4] =	sst s6  }
0xf: {  	[smem:$0x3FB5] =	sst s7  }
0x10: {  	[smem:$0x3FB6] =	sst s8  }
0x11: {  	[smem:$0x3FB7] =	sst s9;
	s0 =	simm.s32 @!p0 $0x0  }
0x12: {  	s1 =	sld [smem:$0x3F9D];
	s0 =	simm.s32 @p0 $0x1  }
0x13: {  	[smem:$0x3FB8] =	sst s0;
	s0 =	simm.s32 @!p1 $0x0  }
0x14: {  	s2 =	sld [smem:$0x3F9C];
	s0 =	simm.s32 @p1 $0x1  }
0x15: {  	[smem:$0x3FB9] =	sst s0;
	s0 =	simm.s32 @!p2 $0x0  }
0x16: {  	s3 =	sld [smem:$0x3FDB];
	s0 =	simm.s32 @p2 $0x1  }
0x17: {  	s4 =	simm.s32 $0x1BF5;
	[smem:$0x3FBB] =	sst s0  }
0x18: {  	s0 =	sld [smem:$0x3F9E];
	_ =	swait.ge [sflag:s4], $0x0  }
0x19: {  	s7 =	sld [smem:$0x3F9F]  }
0x1a: {  	s8 =	sadd.s32 $0xFFFFE003, lr  }
0x1b: {  	s9 =	sadd.s32 $0xFFFFFEF7, lr;
	s5 =	simm.s32 $0xFFFFFFFF;
	p2 =	slt.u32 s8, $0xFFFFF086  }
0x1c: {  	p1 =	slt.u32 s9, $0xF7A;
	s5 =	simm.s32 @!p2 $0x0  }
0x1d: {  	s5 =	simm.s32 @p1 $0x1;
	p0 =	seq.s32 s7, s2  }
0x1e: {  	s7 =	smul.u32 @!p0 $0xF7A, s2;
	p2 =	seq.s32 @!p0 s5, $0x0  }
0x1f: {  	s9 =	smul.u32 $0xF7A, s1;
	s8 =	simm.s32 @!p0 $0x1BF5;
	p2 =	por !p2, p0  }
0x20: {  	[sflag:s8] =	ssyncset.s32 @!p0 $0xFFFFF086;
	s6 =	sadd.s32 @!p0 s3, s7;
	s7 =	simm.s32 @!p0 $0x108  }
0x21: {  	s3 =	sadd.s32 s3, s9;
	s6 =	sadd.s32 @!p0 $0x88, s6;
	s7 =	simm.s32 @p2 $0x1082  }
0x22: {  	[simem:s7], [sflag:s8] =	dma.local @!p0 [hbm:s6], $0xF7A  }
0x23: {  	s9 =	sor.u32 $0xD0000000, s2;
	s6 =	simm.s32 $0x108;
	_ =	swait.ge @!p0 [sflag:s8], $0x0  }
0x24: {  	s3 =	sadd.s32 $0x88, s3;
	s6 =	simm.s32 @!p1 $0x1082;
	[sflag:s4] =	ssyncset.s32 $0xFFFFF086  }
0x25: {  	[simem:s6], [sflag:s4] =	dma.local [hbm:s3], $0xF7A  }
0x26: {  	[smem:$0x3F9F] =	sst s1;
	(tag) =	ssettag s2;
	_ =	strace s9  }
0x27: {  	s1 =	sld [smem:$0x3FAF]  }
0x28: {  	s2 =	sld [smem:$0x3FB0]  }
0x29: {  	s4 =	sld [smem:$0x3FB2]  }
0x2a: {  	p0 =	seq.s32 s5, $0x0;
	s5 =	sld [smem:$0x3FB3]  }
0x2b: {  	s6 =	sld [smem:$0x3FB4]  }
0x2c: {  	s7 =	sld [smem:$0x3FB5]  }
0x2d: {  	s3 =	simm.s32 $0x108;
	s8 =	sld [smem:$0x3FB6]  }
0x2e: {  	s3 =	simm.s32 @!p0 $0x1082;
	s9 =	sld [smem:$0x3FB7]  }
0x2f: {  	lr =	sadd.s32 s0, s3;
	s0 =	sld [smem:$0x3FAE]  }
0x30: {  	s3 =	sld [smem:$0x3FB1]  }
0x31: {  	[smem:$0x3FBA] =	sst s10  }
0x32: {  	s10 =	sld [smem:$0x3FB8];
	_ =	sdelay $0x3  }
0x33: {  	p0 =	seq.s32 s10, $0x1;
	s10 =	sld [smem:$0x3FBA];
	_ =	sdelay $0x3  }
0x34: {  	[smem:$0x3FBA] =	sst s10  }
0x35: {  	s10 =	sld [smem:$0x3FB9];
	_ =	sdelay $0x3  }
0x36: {  	p1 =	seq.s32 s10, $0x1;
	s10 =	sld [smem:$0x3FBA];
	_ =	sdelay $0x3  }
0x37: {  	[smem:$0x3FBA] =	sst s10  }
0x38: {  	s10 =	sld [smem:$0x3FBB]  }
0x39: {  	_ = 	snop;
	(pc) =	sbr.ind lr, $3  }
0x3a: {  	_ = 	snop  }
0x3b: {  	_ = 	snop  }
0x3c: {  	p2 =	seq.s32 s10, $0x1;
	s10 =	sld [smem:$0x3FBA]  }
0x3d: {  	_ =	shalt  }
0x3e: {  	_ =	shalt  }
0x3f: {  	_ =	shalt  }
0x40: {  	_ =	shalt  }
0x41: {  	_ =	shalt  }
0x42: {  	_ =	shalt  }
0x43: {  	_ =	shalt  }
0x44: {  	_ =	shalt  }
0x45: {  	_ =	shalt  }
0x46: {  	_ =	shalt  }
0x47: {  	_ =	shalt  }
0x48: {  	_ =	shalt  }
0x49: {  	_ =	shalt  }
0x4a: {  	_ =	shalt  }
0x4b: {  	_ =	shalt  }
0x4c: {  	_ =	shalt  }
0x4d: {  	_ =	shalt  }
0x4e: {  	_ =	shalt  }
0x4f: {  	_ =	shalt  }
0x50: {  	_ =	shalt  }
0x51: {  	_ =	shalt  }
0x52: {  	_ =	shalt  }
0x53: {  	_ =	shalt  }
0x54: {  	_ =	shalt  }
0x55: {  	_ =	shalt  }
0x56: {  	_ =	shalt  }
0x57: {  	_ =	shalt  }
0x58: {  	_ =	shalt  }
0x59: {  	_ =	shalt  }
0x5a: {  	_ =	shalt  }
0x5b: {  	_ =	shalt  }
0x5c: {  	_ =	shalt  }
0x5d: {  	_ =	shalt  }
0x5e: {  	_ =	shalt  }
0x5f: {  	_ =	shalt  }
0x60: {  	_ =	shalt  }
0x61: {  	_ =	shalt  }
0x62: {  	_ =	shalt  }
0x63: {  	_ =	shalt  }
0x64: {  	_ =	shalt  }
0x65: {  	_ =	shalt  }
0x66: {  	_ =	shalt  }
0x67: {  	_ =	shalt  }
0x68: {  	_ =	shalt  }
0x69: {  	_ =	shalt  }
0x6a: {  	_ =	shalt  }
0x6b: {  	_ =	shalt  }
0x6c: {  	_ =	shalt  }
0x6d: {  	_ =	shalt  }
0x6e: {  	_ =	shalt  }
0x6f: {  	_ =	shalt  }
0x70: {  	_ =	shalt  }
0x71: {  	_ =	shalt  }
0x72: {  	_ =	shalt  }
0x73: {  	_ =	shalt  }
0x74: {  	_ =	shalt  }
0x75: {  	_ =	shalt  }
0x76: {  	_ =	shalt  }
0x77: {  	_ =	shalt  }
0x78: {  	_ =	shalt  }
0x79: {  	_ =	shalt  }
0x7a: {  	_ =	shalt  }
0x7b: {  	_ =	shalt  }
0x7c: {  	_ =	shalt  }
0x7d: {  	_ =	shalt  }
0x7e: {  	_ =	shalt  }
0x7f: {  	_ =	shalt  }
0x80: {  	_ =	shalt  }
0x81: {  	_ =	shalt  }
0x82: {  	_ =	shalt  }
0x83: {  	_ =	shalt  }
0x84: {  	_ =	shalt  }
0x85: {  	_ =	shalt  }
0x86: {  	_ =	shalt  }
0x87: {  	_ =	shalt  }
.Lfunc_end0:
.L_simem_size_0:
called_computation_lowered:
.L_overlay_start_0:
0x88: {  	s2 =	sld [smem:$0x3FD9]  }
0x89: {  	s3 =	sld [smem:$0x3FFE];
	_ =	sdelay $0x1  }
0x8a: {  	s1 =	srdreg.scid  }
0x8b: {  	s0 =	sand.u32 $0x1, s1  }
0x8c: {  	s17 =	sshll.u32 s0, $0xA;
	s2 =	sadd.s32 s3, s2  }
0x8d: {  	s2 =	sadd.s32 s2, s17  }
0x8e: {  	[smem:$0x3FC6] =	sst s2  }
0x8f: {  	_ = 	snop  }
0x90: {  	s2 =	sld [smem:$0x3FC9]  }
0x91: {  	s18 =	sld [smem:$0x3FC8];
	(tm) =	ssettm $0x1  }
0x92: {  	s4 =	sld [smem:$0x3FFB];
	_ =	sdelay $0x3  }
0x93: {  	_ =	strace s4  }
0x94: {  	s4 =	sld [smem:$0x3FFC];
	_ =	sdelay $0x3  }
0x95: {  	_ =	strace s4  }
0x96: {  	s4 =	sld [smem:$0x3FFD];
	_ =	sdelay $0x3  }
0x97: {  	_ =	strace s4  }
0x98: {  	_ =	strace $0x8FFFFFFF  }
0x99: {  	s19 =	sld [smem:$0x3FDB];
	_ =	sdelay $0x1  }
0x9a: {  	s5 =	simm.s32 $_scs_section_size  }
0x9b: {  	s6 =	simm.s32 $_size__tile_overlayer_lowered;
	s7 =	simm.s32 $_tile_overlayer_lowered  }
0x9c: {  	s22 =	simm.s32 $0x1BFF;
	s21 =	sshll.u32 s7, $0x1;
	s4 =	sadd.s32 s5, s19  }
0x9d: {  	s8 =	simm.s32 $0x0;
	s20 =	sshll.u32 s6, $0x1;
	s6 =	sadd.s32 s21, s4  }
0x9e: {  	[timem:s8], [sflag:s22] =	dma.local [hbm:s6], s20  }
0x9f: {  	_ =	swait.ge [sflag:s22], s20  }
0xa0: {  	s5 =	ssub.s32 $0x0, s20;
	[sflag:s22] =	ssyncset.done $0x0  }
0xa1: {  	[sflag:s22] =	ssyncadd.s32 s5;
	_ =	sdelay $0x1  }
0xa2: {  	s23 =	simm.s32 $0x1B8B  }
0xa3: {  	_ =	swait.ge [sflag:s23], $0x1  }
0xa4: {  	[sflag:s23] =	ssyncset.done $0x0  }
0xa5: {  	s25 =	simm.s32 $0x1B8E;
	s24 =	sld [smem:$0x3FFE];
	[sflag:s23] =	ssyncadd.s32 $0xFFFFFFFF  }
0xa6: {  	s26 =	simm.s32 $execute0_lowered;
	[smem:$0x3FD2] =	sst s25  }
0xa7: {  	s6 =	sshll.u32 s26, $0x1;
	_ =	strace $0x80000046;
	[dreg:$0x1] =	wrdreg $0xFFFFFFFF  }
0xa8: {  	s28 =	simm.s32 $_size_execute0_lowered;
	s4 =	sadd.s32 s4, s6;
	[dreg:$0x0] =	wrdreg $0x0  }
0xa9: {  	s6 =	sshll.u32 s28, $0x1;
	[dreg:$0x2] =	wrdreg s4  }
0xaa: {  	[dreg:$0x3] =	wrdreg s6  }
0xab: {  	[dreg:$0x4] =	wrdreg $0xC0  }
0xac: {  	_ =	task [dreg:s8], $0x5FFFF  }
0xad: {  	[dreg:$0x1] =	wrdreg $0xFFFFFFFF  }
0xae: {  	[dreg:$0x0] =	wrdreg $0x60  }
0xaf: {  	[dreg:$0x2] =	wrdreg s2  }
0xb0: {  	[dreg:$0x3] =	wrdreg s18  }
0xb1: {  	[dreg:$0x4] =	wrdreg s24  }
0xb2: {  	[dreg:$0x5] =	wrdreg $0x9  }
0xb3: {  	_ =	task.clear_ibuf [dreg:s8], $0x6FFFF;
	_ =	strace $0x90000046  }
0xb4: {  	s29 =	simm.s32 $0x9;
	_ =	strace $0x8000004E  }
0xb5: {  	_ =	swait.ge [sflag:s29], $0x1  }
0xb6: {  	[sflag:s29] =	ssyncadd.s32 $0xFFFFFFFF  }
0xb7: {  	_ =	strace $0x9000004E  }
0xb8: {  	_ =	sfence  }
0xb9: {  	s30 =	sld [smem:$0x0];
	_ =	sdelay $0x2  }
0xba: {  	s31 =	sshll.u32 s1, $0xD;
	s1 =	sshrl.u32 s1, $0x2  }
0xbb: {  	s3 =	sand.u32 $0x4000, s31;
	s1 =	sadd.s32 s1, s30  }
0xbc: {  	s0 =	sor.u32 s3, s0;
	s1 =	sshll.u32 s1, $0x11  }
0xbd: {  	s0 =	sor.u32 s1, s0  }
0xbe: {  	s0 =	sadd.s32 $0x8F2B, s0  }
0xbf: {  	[sflag:s0] =	ssyncadd.remote.s32 $0x1  }
0xc0: {  	_ =	sfence.sel $0xFFFF  }
0xc1: {  	[dreg:$0x0] =	wrdreg $0xFFFFFFFF;
	(pc) =	sbr.abs _section_cstart, $3  }
0xc2: {  	[dreg:$0x1] =	wrdreg $0xFFFFFFFF  }
0xc3: {  	_ =	task.clear_ibuf [dreg:s8], $0x2FFFF;
	_ =	strace $0x9FFFFFFF  }
0xc4: {  	(tm) =	ssettm $0x7FFFFFFF  }
0xc5: {  	_ =	shalt  }
tec
execute0_lowered:
.L_overlay_start_1:
0x0: {  	(tag) =	ssettag $0x1  }
0x1: {  	s1 =	rddreg [dreg:$0x0]  }
0x2: {  	s2 =	rddreg [dreg:$0x1]  }
0x3: {  	s6 =	rddreg [dreg:$0x2]  }
0x4: {  	s0 =	rddreg [dreg:$0x3]  }
0x5: {  	s5 =	srdreg.scid;
	s4 =	simm.s32 $0x0;
	s3 =	stileid.u32  }
0x6: {  	s12 =	simm.s32 $0x8100;
	s13 =	simm.s32 $0x1;
	s14 =	simm.s32 $0x80  }
0x7: {  	s15 =	simm.s32 $0x0;
	s5 =	sand.u32 $0x1, s5;
	[smem:$0x7FF] =	sst s4  }
0x8: {  	s8 =	sshll.u32 s3, $0x1;
	s10 =	sshll.u32 s3, $0x6;
	s7 =	sshll.u32 s5, $0x5  }
0x9: {  	_ =	strace $0x80000047;
	s5 =	ssub.s32 $0x2, s5;
	s8 =	sor.u32 s8, s7  }
0xa: {  	s11 =	sshrl.u32 s5, $0x1;
	s7 =	sor.u32 s7, s10;
	s9 =	sshll.u32 s8, $0xB  }
0xb: {  	s31 =	ssub.s32 s5, s11;
	s6 =	sadd.s32 s6, s7;
	s8 =	sor.u32 $0x7C0, s8  }
0xc: {  	s11 =	simm.s32 $0x100;
	s9 =	sor.u32 $0x3E0000, s9;
	s10 =	smax.u32 s31, $0x1  }
0xd: {  	v0 =	vimm.f32 $0.0e+00;
	s5 =	sadd.s32 s1, s9;
	s7 =	sadd.s32 s2, s9;
	s9 =	sadd.s32 $0x10, s6  }
.LBB2_1:
0xe: {  	[tilespmem:$0x0] =	vst v0  }
0xf: {  	[tilespmem:$0x80] =	vst v0  }
0x10: {  	p2 =	por $0x1, $0x1;
	p0 =	por $0x0, $0x0;
	_ =	strace $0x80000048  }
0x11: {  	[tilespmem:s11], [sflag:$0x1] =	stream.linear.gather [hbm4b:s5+s4], $0x4000, $0x200038;
	[tilespmem:$0x10100] =	vst v63  }
0x12: {  	s21 =	simm.s32 $0x0;
	s16 =	simm.s32 $0x0;
	s17 =	simm.s32 $0x1  }
0x13: {  	[tilespmem:s12], [sflag:$0x3] =	stream.linear.gather [hbm4b:s7+s4], $0x4000, $0x200038;
	[tilespmem:$0x10100] =	vst v63  }
0x14: {  	s18 =	simm.s32 $0x0;
	s19 =	simm.s32 $0x1;
	_ =	strace $0x90000048  }
.LBB2_2:
0x15: {  	s20 =	sadd.s32 $0x1, s21  }
0x16: {  	p3 =	seq.s32 s20, $0x2  }
0x17: {  	s20 =	simm.s32 @p3 $0x0  }
0x18: {  	p1 =	por p2, p2;
	p2 =	seq.s32 @p2 s21, s20  }
0x19: {  	p3 =	por p2, !p1  }
0x1a: {  	s22 =	sadd.s32 @!p3 s20, s8  }
0x1b: {  	s23 =	sand.u32 @!p3 $0x1, s19;
	_ =	strace @!p3 $0x80000049;
	s22 =	sshll.u32 @!p3 s22, $0xB  }
0x1c: {  	s26 =	simm.s32 @!p3 $0x0;
	s24 =	sshll.u32 @!p3 s23, $0xE;
	s22 =	sand.u32 @!p3 $0x1FFFF800, s22  }
0x1d: {  	s23 =	sadd.s32 @!p3 $0x1, s23;
	s24 =	sor.u32 @!p3 $0x100, s24;
	s25 =	sadd.s32 @!p3 s1, s22  }
0x1e: {  	[tilespmem:s24], [sflag:s23] =	stream.linear.gather @!p3 [hbm4b:s25+s26], $0x4000, $0x200038;
	[tilespmem:$0x10100] =	vst v63  }
0x1f: {  	s23 =	sand.u32 @!p3 $0x1, s17  }
0x20: {  	s22 =	sadd.s32 @!p3 s2, s22;
	_ =	strace @!p3 $0x90000049;
	s24 =	sshll.u32 @!p3 s23, $0xE  }
0x21: {  	s23 =	sadd.s32 @!p3 $0x3, s23;
	_ =	strace @!p3 $0x8000004A;
	s24 =	sor.u32 @!p3 $0x8100, s24  }
0x22: {  	[tilespmem:s24], [sflag:s23] =	stream.linear.gather @!p3 [hbm4b:s22+s26], $0x4000, $0x200038;
	[tilespmem:$0x10100] =	vst v63  }
0x23: {  	s31 =	sand.u32 $0x1, s18;
	_ =	strace @!p3 $0x9000004A  }
0x24: {  	s22 =	sadd.s32 $0x1, s31;
	_ =	strace $0x8000004B  }
0x25: {  	_ =	swait.ge [sflag:s22], $0x4000  }
0x26: {  	s25 =	sshll.u32 s16, $0xE;
	[sflag:s22] =	ssyncset.done $0x0  }
0x27: {  	s23 =	sshll.u32 s18, $0xE;
	s24 =	sand.u32 $0x1, s16;
	[sflag:s22] =	ssyncadd.s32 $0xFFFFC000  }
0x28: {  	s22 =	sand.u32 $0x4000, s23;
	s23 =	sadd.s32 $0x3, s24;
	_ =	strace $0x9000004B  }
0x29: {  	s24 =	sand.u32 $0x4000, s25;
	s22 =	sor.u32 $0x100, s22;
	_ =	strace $0x8000004C  }
0x2a: {  	s24 =	sor.u32 $0x8100, s24;
	v1 =	vmov s22;
	_ =	swait.ge [sflag:s23], $0x4000  }
0x2b: {  	v2 =	vmov s24;
	[sflag:s23] =	ssyncset.done $0x0  }
0x2c: {  	s22 =	simm.s32 $0x0;
	[sflag:s23] =	ssyncadd.s32 $0xFFFFC000  }
0x2d: {  	s26 =	sand.u32 $0x70, s22;
	s30 =	sand.u32 $0x3C00, s22;
	_ =	strace $0x9000004C  }
0x2e: {  	s23 =	sor.u32 s26, s30;
	_ =	strace $0x8000004D  }
0x2f: {  	v4 =	vld.idx.msk [tilespmem:v1+s23+$0x0 ss:$0x1], $0xffff  }
0x30: {  	s24 =	sor.u32 $0x300, s23;
	v5 =	vld.idx.msk [tilespmem:v2+s23+$0x0 ss:$0x1], $0xffff  }
0x31: {  	v6 =	vld.idx.msk [tilespmem:v1+s24+$0x0 ss:$0x1], $0xffff  }
0x32: {  	s31 =	sor.u32 $0x200, s23;
	v7 =	vld.idx.msk [tilespmem:v2+s24+$0x0 ss:$0x1], $0xffff  }
0x33: {  	v9 =	vld.idx.msk [tilespmem:v1+s31+$0x0 ss:$0x1], $0xffff  }
0x34: {  	s26 =	sor.u32 $0x280, s23;
	v10 =	vld.idx.msk [tilespmem:v2+s31+$0x0 ss:$0x1], $0xffff  }
0x35: {  	s22 =	sand.u32 $0x7, s22;
	v11 =	vld.idx.msk [tilespmem:v1+s26+$0x0 ss:$0x1], $0xffff  }
0x36: {  	s22 =	sshll.u32 s22, $0x4;
	s30 =	sor.u32 $0x100, s23;
	v13 =	vld.idx.msk [tilespmem:v2+s26+$0x0 ss:$0x1], $0xffff  }
0x37: {  	s22 =	sadd.s32 $0x0, s22;
	v14 =	vld.idx.msk [tilespmem:v1+s30+$0x0 ss:$0x1], $0xffff  }
0x38: {  	s22 =	sor.u32 $0x380, s22;
	v15 =	vld.idx.msk [tilespmem:v2+s30+$0x0 ss:$0x1], $0xffff  }
0x39: {  	v20 =	vld.idx.msk [tilespmem:v1+s22+$0x0 ss:$0x1], $0xffff  }
0x3a: {  	s31 =	sor.u32 $0x180, s23;
	s23 =	sor.u32 $0x80, s23;
	v22 =	vld.idx.msk [tilespmem:v2+s22+$0x0 ss:$0x1], $0xffff  }
0x3b: {  	v18 =	vld.idx.msk [tilespmem:v1+s23+$0x0 ss:$0x1], $0xffff  }
0x3c: {  	s25 =	simm.s32 $0x10;
	v19 =	vld.idx.msk [tilespmem:v2+s23+$0x0 ss:$0x1], $0xffff;
	s23 =	simm.s32 $0x80  }
0x3d: {  	s24 =	sand.u32 $0x70, s25;
	v17 =	vld.idx.msk [tilespmem:v2+s31+$0x0 ss:$0x1], $0xffff;
	s26 =	sand.u32 $0x3C00, s23  }
0x3e: {  	v21 =	vimm.f32 $0.0e+00;
	v16 =	vld.idx.msk [tilespmem:v1+s31+$0x0 ss:$0x1], $0xffff;
	s24 =	sor.u32 s24, s26  }
0x3f: {  	v3 =	vld.idx.msk [tilespmem:v1+s24+$0x0 ss:$0x1], $0xffff;
	v23 =	vsub.f32 v4, v5;
	v24 =	vmul.f32 v5, v5;
	v8 =	vmul.f32 v7, v7  }
0x40: {  	s30 =	sor.u32 $0x300, s24;
	v4 =	vld.idx.msk [tilespmem:v2+s24+$0x0 ss:$0x1], $0xffff;
	v25 =	vmul.f32 v10, v10;
	v12 =	vmul.f32 v13, v13;
	v26 =	vsub.f32 v6, v7  }
0x41: {  	v5 =	vld.idx.msk [tilespmem:v1+s30+$0x0 ss:$0x1], $0xffff;
	v27 =	vmul.f32 v15, v15;
	v29 =	vsub.f32 v9, v10;
	v14 =	vsub.f32 v14, v15  }
0x42: {  	s25 =	sor.u32 $0x200, s24;
	v6 =	vld.idx.msk [tilespmem:v2+s30+$0x0 ss:$0x1], $0xffff;
	v15 =	vmul.f32 v22, v22;
	v28 =	vmul.f32 v17, v17;
	v10 =	vsub.f32 v18, v19  }
0x43: {  	v30 =	vsub.f32 v11, v13;
	v7 =	vld.idx.msk [tilespmem:v1+s25+$0x0 ss:$0x1], $0xffff;
	v18 =	vmul.f32 v19, v19;
	v13 =	vmul.f32 v23, v23  }
0x44: {  	s31 =	sor.u32 $0x280, s24;
	v9 =	vld.idx.msk [tilespmem:v2+s25+$0x0 ss:$0x1], $0xffff;
	v16 =	vsub.f32 v16, v17;
	v17 =	vsub.f32 v20, v22;
	v19 =	vmul.f32 v10, v10  }
0x45: {  	s28 =	smov.u32 s19;
	p2 =	por !p2, !p1;
	v11 =	vld.idx.msk [tilespmem:v1+s31+$0x0 ss:$0x1], $0xffff;
	v22 =	vadd.f32 v24, v21;
	v14 =	vmul.f32 v14, v14;
	v20 =	vadd.f32 v13, v21  }
0x46: {  	s22 =	simm.s32 $0x0;
	s26 =	sadd.s32 @!p3 $0x1, s19;
	s29 =	sor.u32 $0x100, s24;
	v10 =	vld.idx.msk [tilespmem:v2+s31+$0x0 ss:$0x1], $0xffff;
	v16 =	vmul.f32 v16, v16;
	v19 =	vadd.f32 v19, v21;
	v21 =	vadd.f32 v18, v21  }
0x47: {  	s22 =	simm.s32 @p2 $0x1;
	s28 =	smov.u32 @p2 s26;
	v63 =	vmul.f32 v29, v29;
	v13 =	vld.idx.msk [tilespmem:v1+s29+$0x0 ss:$0x1], $0xffff;
	v22 =	vadd.f32 v27, v22;
	v23 =	vadd.f32 v14, v20  }
0x48: {  	s19 =	smov.u32 @p1 s28;
	s28 =	sor.u32 $0x180, s24;
	s25 =	simm.s32 $0x1;
	v14 =	vld.idx.msk [tilespmem:v2+s29+$0x0 ss:$0x1], $0xffff;
	v20 =	vmul.f32 v30, v30;
	v18 =	vadd.f32 v16, v19;
	v19 =	vadd.f32 v28, v21  }
0x49: {  	s22 =	simm.s32 @!p1 $0x0;
	s26 =	simm.s32 $0x20;
	s29 =	sand.u32 $0x7, s25;
	v22 =	vadd.f32 v25, v22;
	v16 =	vld.idx.msk [tilespmem:v1+s28+$0x0 ss:$0x1], $0xffff;
	v21 =	vadd.f32 v63, v23;
	v23 =	vmul.f32 v26, v26  }
.LBB2_3:
0x4a: {  	p2 =	sne.s32 s26, $0x7F0;
	s29 =	sshll.u32 s29, $0x4;
	s24 =	sor.u32 $0x80, s24;
	v24 =	vld.idx.msk [tilespmem:v2+s28+$0x0 ss:$0x1], $0xffff;
	v18 =	vadd.f32 v20, v18;
	v12 =	vadd.f32 v12, v19;
	v17 =	vmul.f32 v17, v17  }
0x4b: {  	s28 =	sadd.s32 s29, s23;
	v19 =	vld.idx.msk [tilespmem:v1+s24+$0x0 ss:$0x1], $0xffff;
	v20 =	vadd.f32 v23, v21;
	v21 =	vadd.f32 v8, v22  }
0x4c: {  	s23 =	sadd.s32 $0x80, s23;
	v22 =	vld.idx.msk [tilespmem:v2+s24+$0x0 ss:$0x1], $0xffff;
	s28 =	sor.u32 $0x380, s28;
	v18 =	vadd.f32 v17, v18;
	v23 =	vadd.f32 v15, v12  }
0x4d: {  	s24 =	sand.u32 $0x70, s26;
	s29 =	sand.u32 $0x3C00, s23;
	v15 =	vld.idx.msk [tilespmem:v1+s28+$0x0 ss:$0x1], $0xffff  }
0x4e: {  	s24 =	sor.u32 s24, s29;
	v25 =	vld.idx.msk [tilespmem:v2+s28+$0x0 ss:$0x1], $0xffff  }
0x4f: {  	v26 =	vmul.f32 v4, v4;
	v8 =	vmul.f32 v6, v6;
	v17 =	vsub.f32 v3, v4;
	v3 =	vld.idx.msk [tilespmem:v1+s24+$0x0 ss:$0x1], $0xffff  }
0x50: {  	v27 =	vmul.f32 v9, v9;
	v28 =	vsub.f32 v5, v6;
	v12 =	vmul.f32 v10, v10;
	s28 =	sor.u32 $0x300, s24;
	v4 =	vld.idx.msk [tilespmem:v2+s24+$0x0 ss:$0x1], $0xffff  }
0x51: {  	v31 =	vsub.f32 v7, v9;
	v29 =	vmul.f32 v14, v14;
	v30 =	vmul.f32 v24, v24;
	v5 =	vld.idx.msk [tilespmem:v1+s28+$0x0 ss:$0x1], $0xffff  }
0x52: {  	v32 =	vsub.f32 v11, v10;
	s29 =	sor.u32 $0x200, s24;
	v19 =	vsub.f32 v19, v22;
	v22 =	vmul.f32 v22, v22;
	v6 =	vld.idx.msk [tilespmem:v2+s28+$0x0 ss:$0x1], $0xffff  }
0x53: {  	v13 =	vsub.f32 v13, v14;
	v10 =	vmul.f32 v17, v17;
	v14 =	vsub.f32 v16, v24;
	v7 =	vld.idx.msk [tilespmem:v1+s29+$0x0 ss:$0x1], $0xffff  }
0x54: {  	s28 =	sor.u32 $0x280, s24;
	v16 =	vmul.f32 v19, v19;
	v17 =	vsub.f32 v15, v25;
	v15 =	vmul.f32 v25, v25;
	v9 =	vld.idx.msk [tilespmem:v2+s29+$0x0 ss:$0x1], $0xffff  }
.Ltmp0:
0x55: {  	v19 =	vadd.f32 v10, v20;
	v20 =	vadd.f32 v26, v21;
	v21 =	vmul.f32 v13, v13;
	v11 =	vld.idx.msk [tilespmem:v1+s28+$0x0 ss:$0x1], $0xffff;
	(pc) =	sbr.rel @p2 .LBB2_3-.Ltmp0, $4  }
0x56: {  	v22 =	vadd.f32 v22, v23;
	s29 =	sor.u32 $0x100, s24;
	v16 =	vadd.f32 v16, v18;
	v18 =	vmul.f32 v14, v14;
	v10 =	vld.idx.msk [tilespmem:v2+s28+$0x0 ss:$0x1], $0xffff  }
0x57: {  	v24 =	vmul.f32 v31, v31;
	v21 =	vadd.f32 v21, v19;
	v23 =	vadd.f32 v29, v20;
	v13 =	vld.idx.msk [tilespmem:v1+s29+$0x0 ss:$0x1], $0xffff  }
0x58: {  	s25 =	sadd.s32 $0x1, s25;
	v19 =	vadd.f32 v30, v22;
	v20 =	vmul.f32 v32, v32;
	s28 =	sor.u32 $0x180, s24;
	v18 =	vadd.f32 v18, v16;
	v14 =	vld.idx.msk [tilespmem:v2+s29+$0x0 ss:$0x1], $0xffff  }
0x59: {  	s26 =	sadd.s32 $0x10, s26;
	v21 =	vadd.f32 v24, v21;
	v22 =	vadd.f32 v27, v23;
	v23 =	vmul.f32 v28, v28;
	s29 =	sand.u32 $0x7, s25;
	v16 =	vld.idx.msk [tilespmem:v1+s28+$0x0 ss:$0x1], $0xffff  }
0x5a: {  	_ =	sdelay $0x2  }
0x5b: {  	s24 =	sor.u32 $0x80, s24  }
0x5c: {  	v18 =	vadd.f32 v20, v18;
	v25 =	vld.idx.msk [tilespmem:v1+s24+$0x0 ss:$0x1], $0xffff  }
0x5d: {  	v12 =	vadd.f32 v12, v19;
	v17 =	vmul.f32 v17, v17;
	v3 =	vsub.f32 v3, v4;
	v46 =	vld.idx.msk [tilespmem:v2+s24+$0x0 ss:$0x1], $0xffff  }
0x5e: {  	v48 =	vmul.f32 v4, v4;
	v49 =	vmul.f32 v6, v6;
	v5 =	vsub.f32 v5, v6  }
0x5f: {  	v24 =	vld.idx.msk [tilespmem:v2+s28+$0x0 ss:$0x1], $0xffff;
	s25 =	sshll.u32 s29, $0x4;
	v50 =	vmul.f32 v9, v9;
	v7 =	vsub.f32 v7, v9;
	v47 =	vadd.f32 v23, v21  }
0x60: {  	s23 =	sadd.s32 s25, s23;
	v8 =	vadd.f32 v8, v22;
	v11 =	vsub.f32 v11, v10;
	v59 =	vmul.f32 v10, v10  }
0x61: {  	s23 =	sor.u32 $0x380, s23;
	v17 =	vadd.f32 v17, v18;
	v12 =	vadd.f32 v15, v12;
	v3 =	vmul.f32 v3, v3  }
0x62: {  	v7 =	vmul.f32 v7, v7;
	v1 =	vld.idx.msk [tilespmem:v1+s23+$0x0 ss:$0x1], $0xffff;
	v51 =	vmul.f32 v14, v14;
	v53 =	vsub.f32 v25, v46  }
0x63: {  	v2 =	vld.idx.msk [tilespmem:v2+s23+$0x0 ss:$0x1], $0xffff;
	v13 =	vsub.f32 v13, v14;
	v4 =	vadd.f32 v48, v8;
	v19 =	vmul.f32 v46, v46  }
0x64: {  	v3 =	vadd.f32 v3, v47;
	v54 =	vsub.f32 v16, v24;
	v9 =	vmul.f32 v53, v53  }
0x65: {  	v52 =	vmul.f32 v24, v24;
	v13 =	vmul.f32 v13, v13;
	v12 =	vadd.f32 v19, v12  }
0x66: {  	v4 =	vadd.f32 v51, v4;
	v56 =	vmul.f32 v54, v54;
	v55 =	vadd.f32 v9, v17  }
0x67: {  	v5 =	vmul.f32 v5, v5;
	v3 =	vadd.f32 v13, v3;
	v60 =	vadd.f32 v52, v12  }
0x68: {  	v58 =	vmul.f32 v11, v11;
	v1 =	vsub.f32 v1, v2;
	v57 =	vadd.f32 v56, v55  }
0x69: {  	v4 =	vadd.f32 v50, v4;
	v2 =	vmul.f32 v2, v2;
	v61 =	vadd.f32 v59, v60  }
0x6a: {  	v63 =	vld [tilespmem:$0x80];
	v3 =	vadd.f32 v7, v3;
	v1 =	vmul.f32 v1, v1;
	v6 =	vadd.f32 v58, v57  }
0x6b: {  	v62 =	vld [tilespmem:$0x0];
	v4 =	vadd.f32 v49, v4;
	v2 =	vadd.f32 v2, v61  }
0x6c: {  	v3 =	vadd.f32 v5, v3;
	v1 =	vadd.f32 v1, v6  }
0x6d: {  	v2 =	vadd.f32 v2, v4  }
0x6e: {  	v1 =	vadd.f32 v1, v3  }
.Ltmp1:
0x6f: {  	p2 =	sne.s32 s21, s20;
	v2 =	vadd.f32 v63, v2;
	(pc) =	sbr.rel @p1 .LBB2_2-.Ltmp1, $4  }
0x70: {  	s21 =	simm.s32 $0x1;
	p0 =	por p0, p2;
	v1 =	vadd.f32 v62, v1  }
0x71: {  	s17 =	sadd.s32 s17, s22;
	s21 =	simm.s32 @!p0 $0x0;
	[tilespmem:$0x80] =	vst v2  }
0x72: {  	p2 =	por $0x0, $0x0;
	p0 =	por $0x1, $0x1;
	s18 =	sadd.s32 s21, s18;
	[tilespmem:$0x0] =	vst v1  }
0x73: {  	s16 =	sadd.s32 s21, s16;
	s21 =	smov.u32 s20;
	_ =	strace $0x9000004D  }
0x74: {  	[hbm4b:s6+s4] =	stream.linear.scatter [tilespmem:s4], [sflag:$0x1], $0x80, $0x38;
	[tilespmem:$0x10100] =	vst v63  }
0x75: {  	s15 =	sadd.s32 $0x1, s15;
	_ =	swait.ge [sflag:s13], $0x80  }
0x76: {  	p0 =	sne.s32 s15, s10;
	[sflag:s13] =	ssyncset.done $0x0  }
.Ltmp2:
0x77: {  	[sflag:s13] =	ssyncadd.s32 $0xFFFFFF80;
	(pc) =	sbr.rel @p0 .LBB2_1-.Ltmp2, $4  }
0x78: {  	[hbm4b:s9+s4] =	stream.linear.scatter [tilespmem:s14], [sflag:$0x1], $0x80, $0x38;
	[tilespmem:$0x10100] =	vst v63  }
0x79: {  	_ =	swait.ge [sflag:s13], $0x80  }
0x7a: {  	[sflag:s13] =	ssyncset.done $0x0  }
0x7b: {  	[sflag:s13] =	ssyncadd.s32 $0xFFFFFF80  }
0x7c: {  	_ =	sfence.sel $0x180000  }
0x7d: {  	[bflag:$0x0] =	sbarrier.arrive $0xFFFF  }
0x7e: {  	p0 =	sne.s32 s3, $0x0;
	_ =	strace $0x90000047  }
0x7f: {  	s0 =	sadd.s32 @!p0 $0x100000, s0;
	[bflag:$0x2] =	sbarrier.arrive $0xFFFF  }
0x80: {  	[sflag:s0] =	ssyncadd.tile.s32 @!p0 $0x1;
	_ =	shalt  }
.Lfunc_end2:
_tile_overlayer_lowered:
.L_overlay_start_2:
0x81: {  	(tag) =	ssettag $0x2  }
0x82: {  	s0 =	rddreg [dreg:$0x0];
	s2 =	stileid.u32  }
0x83: {  	s1 =	rddreg [dreg:$0x1];
	p0 =	sne.s32 s2, $0x0  }
0x84: {  	s3 =	rddreg [dreg:$0x2];
	[bflag:$0x3] =	sbarrier.arrive $0xFFFF;
	s2 =	simm.s32 @!p0 $0x1C01  }
0x85: {  	[timem:s3], [sflag:s2] =	dma.local @!p0 [hbm:s0], s1  }
0x86: {  	s0 =	simm.s32 @!p0 $0x1  }
0x87: {  	_ =	swait.ge @!p0 [sflag:s0], s1  }
0x88: {  	s1 =	ssub.s32 @!p0 $0x0, s1;
	[sflag:s0] =	ssyncset.done @!p0 $0x0  }
0x89: {  	[sflag:s0] =	ssyncadd.s32 @!p0 s1  }
0x8a: {  	[bflag:$0x3] =	sbarrier.arrive $0xFFFF  }
0x8b: {  	_ =	shalt  }

</sc_bundles>
